<compile_context>
chip_gen: v7x
topology: tpu7x:2x2x1
jax: 0.10.2.dev20260603
libtpu: 0.0.44.dev20260713+nightly
codegen_flags: <defaults>
</compile_context>

<pallas_src>
import functools

import jax
import jax.numpy as jnp
from jax import lax
from jax.experimental import pallas as pl
from jax.experimental.pallas import tpu as pltpu
from jax.experimental.pallas import tpu_sc as plsc

NFIELD = 26
SQL_NEMB = 16
DATA_NEMB = 16
K = 16
HID_GATE = 256
HID_MOE = 512
B = 4096
GATE_IN = NFIELD * SQL_NEMB
EXP_IN = NFIELD * DATA_NEMB

_NC = 2
_NS = 16
_NW = _NC * _NS

_ROWS = B * NFIELD
_BPW = _ROWS // _NW

_TILE_B = 1024
_NT = B // _TILE_B


_V1 = 100000
_V2 = 100027
_V2P = 100352
_TCH = 3136


def _sc_transpose(itab_t, stab_t):
    mesh = plsc.VectorSubcoreMesh(core_axis_name="c", subcore_axis_name="s")

    @functools.partial(
        pl.kernel,
        out_type=(
            jax.ShapeDtypeStruct((_V1, DATA_NEMB), jnp.float32),
            jax.ShapeDtypeStruct((_V2P, SQL_NEMB), jnp.float32),
        ),
        mesh=mesh,
        compiler_params=pltpu.CompilerParams(
            use_tc_tiling_on_sc=False, needs_layout_passes=False),
        scratch_types=[
            pltpu.VMEM((16, _TCH), jnp.float32),
            pltpu.VMEM((_TCH, 16), jnp.float32),
        ],
    )
    def transpose_k(it_hbm, st_hbm, io_hbm, so_hbm, chunk_v, out_v):
        wid = lax.axis_index("s") * _NC + lax.axis_index("c")
        lanes = lax.broadcasted_iota(jnp.int32, (16,), 0)

        def one_table(src_hbm, dst_hbm, base):
            pltpu.sync_copy(src_hbm.at[:, pl.ds(base, _TCH)], chunk_v)

            def block(b, _):
                rr = b * 16
                rows = rr + lanes
                for d in range(16):
                    v = chunk_v[d, pl.ds(rr, 16)]
                    plsc.store_scatter(out_v, [rows, jnp.full((16,), d, jnp.int32)], v)
                return _

            lax.fori_loop(0, _TCH // 16, block, 0)
            pltpu.sync_copy(out_v, dst_hbm.at[pl.ds(base, _TCH), :])

        one_table(it_hbm, io_hbm, jnp.minimum(wid * _TCH, _V1 - _TCH))
        one_table(st_hbm, so_hbm, wid * _TCH)

    return transpose_k(itab_t, stab_t)


def _sc_gather(x_idx, sql_idx, input_table, sql_table):
    mesh = plsc.VectorSubcoreMesh(core_axis_name="c", subcore_axis_name="s")

    bw = B // _NW

    @functools.partial(
        pl.kernel,
        out_type=(
            jax.ShapeDtypeStruct((_ROWS, DATA_NEMB), jnp.float32),
            jax.ShapeDtypeStruct((_ROWS, SQL_NEMB), jnp.float32),
        ),
        mesh=mesh,
        compiler_params=pltpu.CompilerParams(use_tc_tiling_on_sc=False),
        scratch_types=[
            pltpu.VMEM((_BPW,), jnp.int32),
            pltpu.VMEM((_BPW, DATA_NEMB), jnp.float32),
            pltpu.SemaphoreType.DMA,
        ],
    )
    def gather_k(xi_hbm, si_hbm, itab_hbm, stab_hbm, xout_hbm, sout_hbm,
                 idx_v, rows_v, sem):
        wid = lax.axis_index("s") * _NC + lax.axis_index("c")
        base = wid * _BPW
        pltpu.sync_copy(xi_hbm.at[pl.ds(base, _BPW)], idx_v)
        pltpu.async_copy(itab_hbm.at[idx_v], rows_v, sem).wait()
        pltpu.sync_copy(rows_v, xout_hbm.at[pl.ds(base, _BPW)])
        pltpu.sync_copy(si_hbm.at[pl.ds(base, _BPW)], idx_v)
        pltpu.async_copy(stab_hbm.at[idx_v], rows_v, sem).wait()
        pltpu.sync_copy(rows_v, sout_hbm.at[pl.ds(base, _BPW)])

    return gather_k(x_idx, sql_idx, input_table, sql_table)


def _tc_body(sql_ref, xf_ref, gw1_ref, gb1_ref, gw2_ref, gb2_ref,
             ew1_ref, eb1_ref, w2sel_ref, eb2_ref,
             y_ref, imp_ref, spa_ref, acc_imp, acc_spa):
    i = pl.program_id(0)
    f32 = jnp.float32

    sql_t = sql_ref[...]
    gh = jnp.maximum(
        jnp.dot(sql_t, gw1_ref[...], preferred_element_type=f32) + gb1_ref[...],
        0.0)
    logits = (jnp.dot(gh, gw2_ref[...],
                      preferred_element_type=f32) + gb2_ref[...])

    t = logits.shape[0]
    z_t = logits.T
    rowid = lax.broadcasted_iota(jnp.int32, (K, t), 0)
    kz = jnp.zeros((1, t), f32)
    ssum = jnp.zeros((1, t), f32)
    for j in range(K):
        zj = z_t[j:j + 1, :]
        above = jnp.logical_or(
            z_t > zj, jnp.logical_and(z_t == zj, rowid < j))
        r = 1.0 + jnp.sum(above.astype(f32), axis=0, keepdims=True)
        s = zj + jnp.sum(jnp.where(above, z_t, 0.0), axis=0, keepdims=True)
        cond = (1.0 + r * zj) > s
        kz = kz + cond.astype(f32)
        ssum = ssum + jnp.where(cond, zj, 0.0)
    tau = (ssum - 1.0) / kz
    g_t = jnp.maximum(z_t - tau, 0.0)
    g = g_t.T

    @pl.when(i == 0)
    def _():
        acc_imp[...] = jnp.zeros_like(acc_imp)
        acc_spa[...] = jnp.zeros_like(acc_spa)

    acc_imp[...] += jnp.sum(g_t, axis=1, keepdims=True)
    rn = jnp.sqrt(jnp.sum(g_t * g_t, axis=0, keepdims=True))
    acc_spa[...] += jnp.sum(rn, axis=1, keepdims=True)

    xf_t = xf_ref[...]
    o = jnp.zeros((t, K), f32) + eb2_ref[...]
    for k in range(K):
        hk = jnp.maximum(
            jnp.dot(xf_t, ew1_ref[k], preferred_element_type=f32)
            + eb1_ref[k:k + 1, :], 0.0)
        o = o + jnp.dot(hk, w2sel_ref[k * HID_MOE:(k + 1) * HID_MOE, :],
                        preferred_element_type=f32)
    go = g * o
    y_ref[...] = jnp.dot(go, jnp.ones((K, 1), f32),
                         preferred_element_type=f32)

    @pl.when(i == _NT - 1)
    def _():
        imp = acc_imp[...]
        m = jnp.sum(imp, axis=0, keepdims=True) / K
        var = jnp.sum((imp - m) ** 2, axis=0, keepdims=True) / (K - 1)
        imp_ref[...] = var / (m * m + 1e-10)
        spa_ref[...] = acc_spa[...] / B


def _tc_fused(sqlemb, xf, gw1, gb1, gw2, gb2, ew1, eb1, w2sel, eb2):
    return pl.pallas_call(
        _tc_body,
        grid=(_NT,),
        in_specs=[
            pl.BlockSpec((_TILE_B, GATE_IN), lambda i: (i, 0)),
            pl.BlockSpec((_TILE_B, EXP_IN), lambda i: (i, 0)),
            pl.BlockSpec((GATE_IN, HID_GATE), lambda i: (0, 0)),
            pl.BlockSpec((1, HID_GATE), lambda i: (0, 0)),
            pl.BlockSpec((HID_GATE, K), lambda i: (0, 0)),
            pl.BlockSpec((1, K), lambda i: (0, 0)),
            pl.BlockSpec((K, EXP_IN, HID_MOE), lambda i: (0, 0, 0)),
            pl.BlockSpec((K, HID_MOE), lambda i: (0, 0)),
            pl.BlockSpec((K * HID_MOE, K), lambda i: (0, 0)),
            pl.BlockSpec((1, K), lambda i: (0, 0)),
        ],
        out_specs=[
            pl.BlockSpec((_TILE_B, 1), lambda i: (i, 0)),
            pl.BlockSpec((1, 1), lambda i: (0, 0)),
            pl.BlockSpec((1, 1), lambda i: (0, 0)),
        ],
        out_shape=[
            jax.ShapeDtypeStruct((B, 1), jnp.float32),
            jax.ShapeDtypeStruct((1, 1), jnp.float32),
            jax.ShapeDtypeStruct((1, 1), jnp.float32),
        ],
        scratch_shapes=[
            pltpu.VMEM((K, 1), jnp.float32),
            pltpu.VMEM((1, 1), jnp.float32),
        ],
    )(sqlemb, xf, gw1, gb1, gw2, gb2, ew1, eb1, w2sel, eb2)


def kernel(x, sql, input_table, sql_table, gw1, gb1, gw2, gb2,
           ew1, eb1, ew2, eb2):
    itab_lin, stab_lin = _sc_transpose(
        input_table.T, jnp.pad(sql_table.T, ((0, 0), (0, _V2P - _V2))))
    x_rows, sql_rows = _sc_gather(
        x.reshape(-1), sql.reshape(-1), itab_lin, stab_lin)
    xf = x_rows.reshape(B, EXP_IN)
    sqlemb = sql_rows.reshape(B, GATE_IN)
    w2sel = (jnp.repeat(jnp.eye(K, dtype=jnp.float32), HID_MOE, axis=0)
             * ew2.reshape(K * HID_MOE, 1))
    y2d, imp, spa = _tc_fused(
        sqlemb, xf, gw1, gb1.reshape(1, -1),
        gw2, gb2.reshape(1, -1),
        ew1, eb1, w2sel,
        eb2.reshape(1, K))
    return y2d.reshape(B), imp[0, 0], spa[0, 0]

# --- scband reference (transcript-rebuilt; emitter-appended) ---
"""Pipeline reference for scband-sparse-max-vertical-sams-6425271074850 (READ-ONLY COPY).

The authoritative reference and input builder live on the scoring server;
editing this copy changes nothing except your own understanding.
"""

import jax, jax.numpy as jnp
import numpy as np

NFIELD = 26
NFEAT = 100000
SQL_NEMB = 16
DATA_NEMB = 16
K = 16
HID_GATE = 256
HID_MOE = 512
OUT = 1
COL_CARD = NFIELD + NFEAT + 1
B = 4096
GATE_IN = NFIELD * SQL_NEMB
EXP_IN = NFIELD * DATA_NEMB


def _xavier(key, shape):
    fan_in, fan_out = shape[-2], shape[-1]
    lim = float(np.sqrt(6.0 / (fan_in + fan_out)))
    return jax.random.uniform(key, shape, minval=-lim, maxval=lim, dtype=jnp.float32)


def setup_inputs(seed: int = 0) -> dict:
    key = jax.random.key(seed)
    ks = jax.random.split(key, 12)
    x = jax.random.randint(ks[0], (B, NFIELD), 0, NFEAT, dtype=jnp.int32)
    sql = jax.random.randint(ks[1], (B, NFIELD), 0, COL_CARD, dtype=jnp.int32)
    input_table = _xavier(ks[2], (NFEAT, DATA_NEMB))
    sql_table = _xavier(ks[3], (COL_CARD, SQL_NEMB))
    gw1 = _xavier(ks[4], (GATE_IN, HID_GATE))
    gb1 = jnp.zeros((HID_GATE,), jnp.float32)
    gw2 = _xavier(ks[5], (HID_GATE, K))
    gb2 = jnp.zeros((K,), jnp.float32)
    ew1 = _xavier(ks[6], (K, EXP_IN, HID_MOE))
    eb1 = jnp.zeros((K, HID_MOE), jnp.float32)
    ew2 = _xavier(ks[7], (K, HID_MOE, OUT))
    eb2 = jnp.zeros((K, OUT), jnp.float32)
    return {"x": x, "sql": sql, "input_table": input_table, "sql_table": sql_table,
            "gw1": gw1, "gb1": gb1, "gw2": gw2, "gb2": gb2,
            "ew1": ew1, "eb1": eb1, "ew2": ew2, "eb2": eb2}


def sparsemax(z):
    # entmax with alpha=2.0 == sparsemax (euclidean projection onto simplex)
    k_dim = z.shape[-1]
    z_sorted = -jnp.sort(-z, axis=-1)
    ks = jnp.arange(1, k_dim + 1, dtype=z.dtype)
    z_cumsum = jnp.cumsum(z_sorted, axis=-1)
    cond = (1.0 + ks * z_sorted) > z_cumsum
    k_z = jnp.sum(cond.astype(jnp.int32), axis=-1)
    tau = (jnp.take_along_axis(z_cumsum, (k_z - 1)[..., None], axis=-1) - 1.0) / k_z[..., None].astype(z.dtype)
    return jnp.maximum(z - tau, 0.0)


def reference(x, sql, input_table, sql_table, gw1, gb1, gw2, gb2, ew1, eb1, ew2, eb2):
    b = x.shape[0]
    # embeddings (gather)
    x_emb = jnp.take(input_table, x, axis=0)            # [B, F, D]
    sql_emb = jnp.take(sql_table, sql, axis=0).reshape(b, -1)  # [B, F*SQL_NEMB]
    # gate network (MLP) + sparsemax (entmax alpha=2)
    gh = jnp.maximum(sql_emb @ gw1 + gb1, 0.0)
    logits = gh @ gw2 + gb2                              # [B, K]
    gate_score = sparsemax(logits)                       # [B, K]
    # aux losses
    importance = gate_score.sum(axis=0)                  # [K]
    imp_loss = jnp.var(importance, ddof=1) / (jnp.mean(importance) ** 2 + 1e-10)
    spa_loss = jnp.mean(jnp.sqrt(jnp.sum(gate_score ** 2, axis=1)))
    # experts: MLP over flattened field embeddings
    xf = x_emb.reshape(b, -1)                            # [B, F*D]
    h = jnp.maximum(jnp.einsum('bi,kih->bkh', xf, ew1) + eb1[None, :, :], 0.0)
    o = jnp.einsum('bkh,kho->bko', h, ew2) + eb2[None, :, :]  # [B, K, 1]
    y = jnp.sum(gate_score[..., None] * o, axis=1)       # [B, 1]
    return (y.squeeze(-1), imp_loss, spa_loss)

if __name__ == "__main__":
    import jax
    _d = setup_inputs()
    print(jax.jit(kernel)(*tuple(_d.values())))

</pallas_src>

<mosaic_0001>
#map = affine_map<(d0, d1) -> (0)>
#map1 = affine_map<(d0, d1) -> (0, 0)>
module attributes {stable_mosaic.version = 14 : i64} {
  func.func @gather_k(%arg0: i32, %arg1: i32, %arg2: memref<106496xi32, #tpu.memory_space<hbm>>, %arg3: memref<106496xi32, #tpu.memory_space<hbm>>, %arg4: memref<100000x16xf32, #tpu.memory_space<hbm>>, %arg5: memref<100352x16xf32, #tpu.memory_space<hbm>>, %arg6: memref<106496x16xf32, #tpu.memory_space<hbm>>, %arg7: memref<106496x16xf32, #tpu.memory_space<hbm>>, %arg8: memref<3328xi32, #tpu.memory_space<vmem>>, %arg9: memref<3328x16xf32, #tpu.memory_space<vmem>>, %arg10: memref<!tpu.dma_semaphore, #tpu.memory_space<semaphore_mem>>) attributes {dimension_semantics = [#tpu.dimension_semantics<core_parallel>, #tpu.dimension_semantics<subcore_parallel>], iteration_bounds = array<i64: 2, 16>, scalar_prefetch = 0 : i64, scratch_operands = 3 : i64, tpu.core_type = #tpu.core_type<sc_vector_subcore>, window_params = [{transform_indices = #map}, {transform_indices = #map}, {transform_indices = #map1}, {transform_indices = #map1}, {transform_indices = #map1}, {transform_indices = #map1}]} {
    %mul3A = arith.constant 2 : i32
    %mul3A_0 = arith.muli %arg1, %mul3A : i32
    %add3A = arith.addi %mul3A_0, %arg0 : i32
    %mul3A_1 = arith.constant 3328 : i32
    %mul3A_2 = arith.muli %add3A, %mul3A_1 : i32
    "tpu.region"() ({
      %run_scoped3A = tpu.sem_alloc : memref<!tpu.dma_semaphore, #tpu.memory_space<semaphore_mem>>
      %dma_start3A_13 = tpu.memref_slice %arg2[%mul3A_2] : memref<106496xi32, #tpu.memory_space<hbm>> -> memref<3328xi32, #tpu.memory_space<hbm>>
      %dma_start3A_14 = tpu.memref_slice %arg2[%mul3A_2] : memref<106496xi32, #tpu.memory_space<hbm>> -> memref<3328xi32, #tpu.memory_space<hbm>>
      tpu.enqueue_dma source(%dma_start3A_14 : memref<3328xi32, #tpu.memory_space<hbm>>) target(%arg8 : memref<3328xi32, #tpu.memory_space<vmem>>) target_semaphore(%run_scoped3A : memref<!tpu.dma_semaphore, #tpu.memory_space<semaphore_mem>>)
      %dma_wait3A_15 = tpu.memref_slice %arg2[%mul3A_2] : memref<106496xi32, #tpu.memory_space<hbm>> -> memref<3328xi32, #tpu.memory_space<hbm>>
      %dma_wait3A_16 = tpu.memref_slice %arg2[%mul3A_2] : memref<106496xi32, #tpu.memory_space<hbm>> -> memref<3328xi32, #tpu.memory_space<hbm>>
      tpu.wait_dma2 semaphore(%run_scoped3A : memref<!tpu.dma_semaphore, #tpu.memory_space<semaphore_mem>>) src(%dma_wait3A_16 : memref<3328xi32, #tpu.memory_space<hbm>>) dst(%arg8 : memref<3328xi32, #tpu.memory_space<vmem>>)
      tpu.yield
    }) : () -> ()
    %dma_start3A = arith.constant 0 : i32
    %dma_start3A_3 = arith.constant 0 : i32
    %dma_start3A_4 = tpu.memref_slice %arg4[%dma_start3A, %dma_start3A_3] : memref<100000x16xf32, #tpu.memory_space<hbm>> -> memref<100000x16xf32, #tpu.memory_space<hbm>>
    tpu.enqueue_indirect_dma source(%dma_start3A_4 : memref<100000x16xf32, #tpu.memory_space<hbm>>) target(%arg9 : memref<3328x16xf32, #tpu.memory_space<vmem>>) offsets(%arg8 : memref<3328xi32, #tpu.memory_space<vmem>>) semaphore(%arg10 : memref<!tpu.dma_semaphore, #tpu.memory_space<semaphore_mem>>)
    %dma_wait3A = arith.constant 0 : i32
    %dma_wait3A_5 = arith.constant 0 : i32
    %dma_wait3A_6 = tpu.memref_slice %arg4[%dma_wait3A, %dma_wait3A_5] : memref<100000x16xf32, #tpu.memory_space<hbm>> -> memref<100000x16xf32, #tpu.memory_space<hbm>>
    tpu.wait_indirect_dma semaphore(%arg10 : memref<!tpu.dma_semaphore, #tpu.memory_space<semaphore_mem>>) src(%dma_wait3A_6 : memref<100000x16xf32, #tpu.memory_space<hbm>>) dst(%arg9 : memref<3328x16xf32, #tpu.memory_space<vmem>>)
    "tpu.region"() ({
      %run_scoped3A = tpu.sem_alloc : memref<!tpu.dma_semaphore, #tpu.memory_space<semaphore_mem>>
      %dma_start3A_13 = arith.constant 0 : i32
      %dma_start3A_14 = tpu.memref_slice %arg6[%mul3A_2, %dma_start3A_13] : memref<106496x16xf32, #tpu.memory_space<hbm>> -> memref<3328x16xf32, #tpu.memory_space<hbm>>
      %dma_start3A_15 = arith.constant 0 : i32
      %dma_start3A_16 = tpu.memref_slice %arg6[%mul3A_2, %dma_start3A_15] : memref<106496x16xf32, #tpu.memory_space<hbm>> -> memref<3328x16xf32, #tpu.memory_space<hbm>>
      tpu.enqueue_dma source(%arg9 : memref<3328x16xf32, #tpu.memory_space<vmem>>) target(%dma_start3A_16 : memref<3328x16xf32, #tpu.memory_space<hbm>>) target_semaphore(%run_scoped3A : memref<!tpu.dma_semaphore, #tpu.memory_space<semaphore_mem>>)
      %dma_wait3A_17 = arith.constant 0 : i32
      %dma_wait3A_18 = tpu.memref_slice %arg6[%mul3A_2, %dma_wait3A_17] : memref<106496x16xf32, #tpu.memory_space<hbm>> -> memref<3328x16xf32, #tpu.memory_space<hbm>>
      %dma_wait3A_19 = arith.constant 0 : i32
      %dma_wait3A_20 = tpu.memref_slice %arg6[%mul3A_2, %dma_wait3A_19] : memref<106496x16xf32, #tpu.memory_space<hbm>> -> memref<3328x16xf32, #tpu.memory_space<hbm>>
      tpu.wait_dma2 semaphore(%run_scoped3A : memref<!tpu.dma_semaphore, #tpu.memory_space<semaphore_mem>>) src(%arg9 : memref<3328x16xf32, #tpu.memory_space<vmem>>) dst(%dma_wait3A_20 : memref<3328x16xf32, #tpu.memory_space<hbm>>)
      tpu.yield
    }) : () -> ()
    "tpu.region"() ({
      %run_scoped3A = tpu.sem_alloc : memref<!tpu.dma_semaphore, #tpu.memory_space<semaphore_mem>>
      %dma_start3A_13 = tpu.memref_slice %arg3[%mul3A_2] : memref<106496xi32, #tpu.memory_space<hbm>> -> memref<3328xi32, #tpu.memory_space<hbm>>
      %dma_start3A_14 = tpu.memref_slice %arg3[%mul3A_2] : memref<106496xi32, #tpu.memory_space<hbm>> -> memref<3328xi32, #tpu.memory_space<hbm>>
      tpu.enqueue_dma source(%dma_start3A_14 : memref<3328xi32, #tpu.memory_space<hbm>>) target(%arg8 : memref<3328xi32, #tpu.memory_space<vmem>>) target_semaphore(%run_scoped3A : memref<!tpu.dma_semaphore, #tpu.memory_space<semaphore_mem>>)
      %dma_wait3A_15 = tpu.memref_slice %arg3[%mul3A_2] : memref<106496xi32, #tpu.memory_space<hbm>> -> memref<3328xi32, #tpu.memory_space<hbm>>
      %dma_wait3A_16 = tpu.memref_slice %arg3[%mul3A_2] : memref<106496xi32, #tpu.memory_space<hbm>> -> memref<3328xi32, #tpu.memory_space<hbm>>
      tpu.wait_dma2 semaphore(%run_scoped3A : memref<!tpu.dma_semaphore, #tpu.memory_space<semaphore_mem>>) src(%dma_wait3A_16 : memref<3328xi32, #tpu.memory_space<hbm>>) dst(%arg8 : memref<3328xi32, #tpu.memory_space<vmem>>)
      tpu.yield
    }) : () -> ()
    %dma_start3A_7 = arith.constant 0 : i32
    %dma_start3A_8 = arith.constant 0 : i32
    %dma_start3A_9 = tpu.memref_slice %arg5[%dma_start3A_7, %dma_start3A_8] : memref<100352x16xf32, #tpu.memory_space<hbm>> -> memref<100352x16xf32, #tpu.memory_space<hbm>>
    tpu.enqueue_indirect_dma source(%dma_start3A_9 : memref<100352x16xf32, #tpu.memory_space<hbm>>) target(%arg9 : memref<3328x16xf32, #tpu.memory_space<vmem>>) offsets(%arg8 : memref<3328xi32, #tpu.memory_space<vmem>>) semaphore(%arg10 : memref<!tpu.dma_semaphore, #tpu.memory_space<semaphore_mem>>)
    %dma_wait3A_10 = arith.constant 0 : i32
    %dma_wait3A_11 = arith.constant 0 : i32
    %dma_wait3A_12 = tpu.memref_slice %arg5[%dma_wait3A_10, %dma_wait3A_11] : memref<100352x16xf32, #tpu.memory_space<hbm>> -> memref<100352x16xf32, #tpu.memory_space<hbm>>
    tpu.wait_indirect_dma semaphore(%arg10 : memref<!tpu.dma_semaphore, #tpu.memory_space<semaphore_mem>>) src(%dma_wait3A_12 : memref<100352x16xf32, #tpu.memory_space<hbm>>) dst(%arg9 : memref<3328x16xf32, #tpu.memory_space<vmem>>)
    "tpu.region"() ({
      %run_scoped3A = tpu.sem_alloc : memref<!tpu.dma_semaphore, #tpu.memory_space<semaphore_mem>>
      %dma_start3A_13 = arith.constant 0 : i32
      %dma_start3A_14 = tpu.memref_slice %arg7[%mul3A_2, %dma_start3A_13] : memref<106496x16xf32, #tpu.memory_space<hbm>> -> memref<3328x16xf32, #tpu.memory_space<hbm>>
      %dma_start3A_15 = arith.constant 0 : i32
      %dma_start3A_16 = tpu.memref_slice %arg7[%mul3A_2, %dma_start3A_15] : memref<106496x16xf32, #tpu.memory_space<hbm>> -> memref<3328x16xf32, #tpu.memory_space<hbm>>
      tpu.enqueue_dma source(%arg9 : memref<3328x16xf32, #tpu.memory_space<vmem>>) target(%dma_start3A_16 : memref<3328x16xf32, #tpu.memory_space<hbm>>) target_semaphore(%run_scoped3A : memref<!tpu.dma_semaphore, #tpu.memory_space<semaphore_mem>>)
      %dma_wait3A_17 = arith.constant 0 : i32
      %dma_wait3A_18 = tpu.memref_slice %arg7[%mul3A_2, %dma_wait3A_17] : memref<106496x16xf32, #tpu.memory_space<hbm>> -> memref<3328x16xf32, #tpu.memory_space<hbm>>
      %dma_wait3A_19 = arith.constant 0 : i32
      %dma_wait3A_20 = tpu.memref_slice %arg7[%mul3A_2, %dma_wait3A_19] : memref<106496x16xf32, #tpu.memory_space<hbm>> -> memref<3328x16xf32, #tpu.memory_space<hbm>>
      tpu.wait_dma2 semaphore(%run_scoped3A : memref<!tpu.dma_semaphore, #tpu.memory_space<semaphore_mem>>) src(%arg9 : memref<3328x16xf32, #tpu.memory_space<vmem>>) dst(%dma_wait3A_20 : memref<3328x16xf32, #tpu.memory_space<hbm>>)
      tpu.yield
    }) : () -> ()
    return
  }
}

#map = affine_map<(d0, d1) -> (0, 0)>
module attributes {stable_mosaic.version = 14 : i64} {
  func.func @transpose_k(%arg0: i32, %arg1: i32, %arg2: memref<16x100000xf32, #tpu.memory_space<hbm>>, %arg3: memref<16x100352xf32, #tpu.memory_space<hbm>>, %arg4: memref<100000x16xf32, #tpu.memory_space<hbm>>, %arg5: memref<100352x16xf32, #tpu.memory_space<hbm>>, %arg6: memref<16x3136xf32, #tpu.memory_space<vmem>>, %arg7: memref<3136x16xf32, #tpu.memory_space<vmem>>) attributes {dimension_semantics = [#tpu.dimension_semantics<core_parallel>, #tpu.dimension_semantics<subcore_parallel>], iteration_bounds = array<i64: 2, 16>, scalar_prefetch = 0 : i64, scratch_operands = 2 : i64, tpu.core_type = #tpu.core_type<sc_vector_subcore>, window_params = [{transform_indices = #map}, {transform_indices = #map}, {transform_indices = #map}, {transform_indices = #map}]} {
    %mul3A = arith.constant 2 : i32
    %mul3A_0 = arith.muli %arg1, %mul3A : i32
    %add3A = arith.addi %mul3A_0, %arg0 : i32
    %iota3A = tpu.iota {dimensions = array<i32: 0>} : vector<16xi32>
    %mul3A_1 = arith.constant 3136 : i32
    %mul3A_2 = arith.muli %add3A, %mul3A_1 : i32
    %min3A = arith.constant 96864 : i32
    %min3A_3 = arith.minsi %mul3A_2, %min3A : i32
    "tpu.region"() ({
      %run_scoped3A = tpu.sem_alloc : memref<!tpu.dma_semaphore, #tpu.memory_space<semaphore_mem>>
      %dma_start3A = arith.constant 0 : i32
      %dma_start3A_17 = tpu.memref_slice %arg2[%dma_start3A, %min3A_3] : memref<16x100000xf32, #tpu.memory_space<hbm>> -> memref<16x3136xf32, #tpu.memory_space<hbm>>
      %dma_start3A_18 = arith.constant 0 : i32
      %dma_start3A_19 = tpu.memref_slice %arg2[%dma_start3A_18, %min3A_3] : memref<16x100000xf32, #tpu.memory_space<hbm>> -> memref<16x3136xf32, #tpu.memory_space<hbm>>
      tpu.enqueue_dma source(%dma_start3A_19 : memref<16x3136xf32, #tpu.memory_space<hbm>>) target(%arg6 : memref<16x3136xf32, #tpu.memory_space<vmem>>) target_semaphore(%run_scoped3A : memref<!tpu.dma_semaphore, #tpu.memory_space<semaphore_mem>>)
      %dma_wait3A = arith.constant 0 : i32
      %dma_wait3A_20 = tpu.memref_slice %arg2[%dma_wait3A, %min3A_3] : memref<16x100000xf32, #tpu.memory_space<hbm>> -> memref<16x3136xf32, #tpu.memory_space<hbm>>
      %dma_wait3A_21 = arith.constant 0 : i32
      %dma_wait3A_22 = tpu.memref_slice %arg2[%dma_wait3A_21, %min3A_3] : memref<16x100000xf32, #tpu.memory_space<hbm>> -> memref<16x3136xf32, #tpu.memory_space<hbm>>
      tpu.wait_dma2 semaphore(%run_scoped3A : memref<!tpu.dma_semaphore, #tpu.memory_space<semaphore_mem>>) src(%dma_wait3A_22 : memref<16x3136xf32, #tpu.memory_space<hbm>>) dst(%arg6 : memref<16x3136xf32, #tpu.memory_space<vmem>>)
      tpu.yield
    }) : () -> ()
    %scan3A = arith.constant 0 : i32
    %scan3A_4 = arith.constant 0 : i32
    %scan3A_5 = arith.constant 196 : i32
    %scan3A_6 = arith.addi %scan3A_4, %scan3A_5 : i32
    %scan3A_7 = arith.constant 1 : i32
    scf.for %scan3A_17 = %scan3A_4 to %scan3A_6 step %scan3A_7  : i32 {
      %mul3A_18 = arith.constant 16 : i32
      %mul3A_19 = arith.muli %scan3A_17, %mul3A_18 : i32
      %add3A_20 = vector.broadcast %mul3A_19 : i32 to vector<16xi32>
      %add3A_21 = arith.addi %add3A_20, %iota3A : vector<16xi32>
      %get3A = arith.constant 0 : i32
      %get3A_22 = arith.index_cast %get3A : i32 to index
      %get3A_23 = arith.index_cast %mul3A_19 : i32 to index
      %get3A_24 = tpu.vector_load %arg6[%get3A_22, %get3A_23] {strides = array<i32>} : memref<16x3136xf32, #tpu.memory_space<vmem>>, vector<16xf32>,
      %broadcast_in_dim3A = arith.constant 0 : i32
      %broadcast_in_dim3A_25 = vector.broadcast %broadcast_in_dim3A : i32 to vector<16xi32>
      tpu.vector_store_idx %arg7[%add3A_21, %broadcast_in_dim3A_25], %get3A_24 : memref<3136x16xf32, #tpu.memory_space<vmem>>[vector<16xi32>, vector<16xi32>], vector<16xf32>,
      %get3A_26 = arith.constant 1 : i32
      %get3A_27 = arith.index_cast %get3A_26 : i32 to index
      %get3A_28 = arith.index_cast %mul3A_19 : i32 to index
      %get3A_29 = tpu.vector_load %arg6[%get3A_27, %get3A_28] {strides = array<i32>} : memref<16x3136xf32, #tpu.memory_space<vmem>>, vector<16xf32>,
      %broadcast_in_dim3A_30 = arith.constant 1 : i32
      %broadcast_in_dim3A_31 = vector.broadcast %broadcast_in_dim3A_30 : i32 to vector<16xi32>
      tpu.vector_store_idx %arg7[%add3A_21, %broadcast_in_dim3A_31], %get3A_29 : memref<3136x16xf32, #tpu.memory_space<vmem>>[vector<16xi32>, vector<16xi32>], vector<16xf32>,
      %get3A_32 = arith.constant 2 : i32
      %get3A_33 = arith.index_cast %get3A_32 : i32 to index
      %get3A_34 = arith.index_cast %mul3A_19 : i32 to index
      %get3A_35 = tpu.vector_load %arg6[%get3A_33, %get3A_34] {strides = array<i32>} : memref<16x3136xf32, #tpu.memory_space<vmem>>, vector<16xf32>,
      %broadcast_in_dim3A_36 = arith.constant 2 : i32
      %broadcast_in_dim3A_37 = vector.broadcast %broadcast_in_dim3A_36 : i32 to vector<16xi32>
      tpu.vector_store_idx %arg7[%add3A_21, %broadcast_in_dim3A_37], %get3A_35 : memref<3136x16xf32, #tpu.memory_space<vmem>>[vector<16xi32>, vector<16xi32>], vector<16xf32>,
      %get3A_38 = arith.constant 3 : i32
      %get3A_39 = arith.index_cast %get3A_38 : i32 to index
      %get3A_40 = arith.index_cast %mul3A_19 : i32 to index
      %get3A_41 = tpu.vector_load %arg6[%get3A_39, %get3A_40] {strides = array<i32>} : memref<16x3136xf32, #tpu.memory_space<vmem>>, vector<16xf32>,
      %broadcast_in_dim3A_42 = arith.constant 3 : i32
      %broadcast_in_dim3A_43 = vector.broadcast %broadcast_in_dim3A_42 : i32 to vector<16xi32>
      tpu.vector_store_idx %arg7[%add3A_21, %broadcast_in_dim3A_43], %get3A_41 : memref<3136x16xf32, #tpu.memory_space<vmem>>[vector<16xi32>, vector<16xi32>], vector<16xf32>,
      %get3A_44 = arith.constant 4 : i32
      %get3A_45 = arith.index_cast %get3A_44 : i32 to index
      %get3A_46 = arith.index_cast %mul3A_19 : i32 to index
      %get3A_47 = tpu.vector_load %arg6[%get3A_45, %get3A_46] {strides = array<i32>} : memref<16x3136xf32, #tpu.memory_space<vmem>>, vector<16xf32>,
      %broadcast_in_dim3A_48 = arith.constant 4 : i32
      %broadcast_in_dim3A_49 = vector.broadcast %broadcast_in_dim3A_48 : i32 to vector<16xi32>
      tpu.vector_store_idx %arg7[%add3A_21, %broadcast_in_dim3A_49], %get3A_47 : memref<3136x16xf32, #tpu.memory_space<vmem>>[vector<16xi32>, vector<16xi32>], vector<16xf32>,
      %get3A_50 = arith.constant 5 : i32
      %get3A_51 = arith.index_cast %get3A_50 : i32 to index
      %get3A_52 = arith.index_cast %mul3A_19 : i32 to index
      %get3A_53 = tpu.vector_load %arg6[%get3A_51, %get3A_52] {strides = array<i32>} : memref<16x3136xf32, #tpu.memory_space<vmem>>, vector<16xf32>,
      %broadcast_in_dim3A_54 = arith.constant 5 : i32
      %broadcast_in_dim3A_55 = vector.broadcast %broadcast_in_dim3A_54 : i32 to vector<16xi32>
      tpu.vector_store_idx %arg7[%add3A_21, %broadcast_in_dim3A_55], %get3A_53 : memref<3136x16xf32, #tpu.memory_space<vmem>>[vector<16xi32>, vector<16xi32>], vector<16xf32>,
      %get3A_56 = arith.constant 6 : i32
      %get3A_57 = arith.index_cast %get3A_56 : i32 to index
      %get3A_58 = arith.index_cast %mul3A_19 : i32 to index
      %get3A_59 = tpu.vector_load %arg6[%get3A_57, %get3A_58] {strides = array<i32>} : memref<16x3136xf32, #tpu.memory_space<vmem>>, vector<16xf32>,
      %broadcast_in_dim3A_60 = arith.constant 6 : i32
      %broadcast_in_dim3A_61 = vector.broadcast %broadcast_in_dim3A_60 : i32 to vector<16xi32>
      tpu.vector_store_idx %arg7[%add3A_21, %broadcast_in_dim3A_61], %get3A_59 : memref<3136x16xf32, #tpu.memory_space<vmem>>[vector<16xi32>, vector<16xi32>], vector<16xf32>,
      %get3A_62 = arith.constant 7 : i32
      %get3A_63 = arith.index_cast %get3A_62 : i32 to index
      %get3A_64 = arith.index_cast %mul3A_19 : i32 to index
      %get3A_65 = tpu.vector_load %arg6[%get3A_63, %get3A_64] {strides = array<i32>} : memref<16x3136xf32, #tpu.memory_space<vmem>>, vector<16xf32>,
      %broadcast_in_dim3A_66 = arith.constant 7 : i32
      %broadcast_in_dim3A_67 = vector.broadcast %broadcast_in_dim3A_66 : i32 to vector<16xi32>
      tpu.vector_store_idx %arg7[%add3A_21, %broadcast_in_dim3A_67], %get3A_65 : memref<3136x16xf32, #tpu.memory_space<vmem>>[vector<16xi32>, vector<16xi32>], vector<16xf32>,
      %get3A_68 = arith.constant 8 : i32
      %get3A_69 = arith.index_cast %get3A_68 : i32 to index
      %get3A_70 = arith.index_cast %mul3A_19 : i32 to index
      %get3A_71 = tpu.vector_load %arg6[%get3A_69, %get3A_70] {strides = array<i32>} : memref<16x3136xf32, #tpu.memory_space<vmem>>, vector<16xf32>,
      %broadcast_in_dim3A_72 = arith.constant 8 : i32
      %broadcast_in_dim3A_73 = vector.broadcast %broadcast_in_dim3A_72 : i32 to vector<16xi32>
      tpu.vector_store_idx %arg7[%add3A_21, %broadcast_in_dim3A_73], %get3A_71 : memref<3136x16xf32, #tpu.memory_space<vmem>>[vector<16xi32>, vector<16xi32>], vector<16xf32>,
      %get3A_74 = arith.constant 9 : i32
      %get3A_75 = arith.index_cast %get3A_74 : i32 to index
      %get3A_76 = arith.index_cast %mul3A_19 : i32 to index
      %get3A_77 = tpu.vector_load %arg6[%get3A_75, %get3A_76] {strides = array<i32>} : memref<16x3136xf32, #tpu.memory_space<vmem>>, vector<16xf32>,
      %broadcast_in_dim3A_78 = arith.constant 9 : i32
      %broadcast_in_dim3A_79 = vector.broadcast %broadcast_in_dim3A_78 : i32 to vector<16xi32>
      tpu.vector_store_idx %arg7[%add3A_21, %broadcast_in_dim3A_79], %get3A_77 : memref<3136x16xf32, #tpu.memory_space<vmem>>[vector<16xi32>, vector<16xi32>], vector<16xf32>,
      %get3A_80 = arith.constant 10 : i32
      %get3A_81 = arith.index_cast %get3A_80 : i32 to index
      %get3A_82 = arith.index_cast %mul3A_19 : i32 to index
      %get3A_83 = tpu.vector_load %arg6[%get3A_81, %get3A_82] {strides = array<i32>} : memref<16x3136xf32, #tpu.memory_space<vmem>>, vector<16xf32>,
      %broadcast_in_dim3A_84 = arith.constant 10 : i32
      %broadcast_in_dim3A_85 = vector.broadcast %broadcast_in_dim3A_84 : i32 to vector<16xi32>
      tpu.vector_store_idx %arg7[%add3A_21, %broadcast_in_dim3A_85], %get3A_83 : memref<3136x16xf32, #tpu.memory_space<vmem>>[vector<16xi32>, vector<16xi32>], vector<16xf32>,
      %get3A_86 = arith.constant 11 : i32
      %get3A_87 = arith.index_cast %get3A_86 : i32 to index
      %get3A_88 = arith.index_cast %mul3A_19 : i32 to index
      %get3A_89 = tpu.vector_load %arg6[%get3A_87, %get3A_88] {strides = array<i32>} : memref<16x3136xf32, #tpu.memory_space<vmem>>, vector<16xf32>,
      %broadcast_in_dim3A_90 = arith.constant 11 : i32
      %broadcast_in_dim3A_91 = vector.broadcast %broadcast_in_dim3A_90 : i32 to vector<16xi32>
      tpu.vector_store_idx %arg7[%add3A_21, %broadcast_in_dim3A_91], %get3A_89 : memref<3136x16xf32, #tpu.memory_space<vmem>>[vector<16xi32>, vector<16xi32>], vector<16xf32>,
      %get3A_92 = arith.constant 12 : i32
      %get3A_93 = arith.index_cast %get3A_92 : i32 to index
      %get3A_94 = arith.index_cast %mul3A_19 : i32 to index
      %get3A_95 = tpu.vector_load %arg6[%get3A_93, %get3A_94] {strides = array<i32>} : memref<16x3136xf32, #tpu.memory_space<vmem>>, vector<16xf32>,
      %broadcast_in_dim3A_96 = arith.constant 12 : i32
      %broadcast_in_dim3A_97 = vector.broadcast %broadcast_in_dim3A_96 : i32 to vector<16xi32>
      tpu.vector_store_idx %arg7[%add3A_21, %broadcast_in_dim3A_97], %get3A_95 : memref<3136x16xf32, #tpu.memory_space<vmem>>[vector<16xi32>, vector<16xi32>], vector<16xf32>,
      %get3A_98 = arith.constant 13 : i32
      %get3A_99 = arith.index_cast %get3A_98 : i32 to index
      %get3A_100 = arith.index_cast %mul3A_19 : i32 to index
      %get3A_101 = tpu.vector_load %arg6[%get3A_99, %get3A_100] {strides = array<i32>} : memref<16x3136xf32, #tpu.memory_space<vmem>>, vector<16xf32>,
      %broadcast_in_dim3A_102 = arith.constant 13 : i32
      %broadcast_in_dim3A_103 = vector.broadcast %broadcast_in_dim3A_102 : i32 to vector<16xi32>
      tpu.vector_store_idx %arg7[%add3A_21, %broadcast_in_dim3A_103], %get3A_101 : memref<3136x16xf32, #tpu.memory_space<vmem>>[vector<16xi32>, vector<16xi32>], vector<16xf32>,
      %get3A_104 = arith.constant 14 : i32
      %get3A_105 = arith.index_cast %get3A_104 : i32 to index
      %get3A_106 = arith.index_cast %mul3A_19 : i32 to index
      %get3A_107 = tpu.vector_load %arg6[%get3A_105, %get3A_106] {strides = array<i32>} : memref<16x3136xf32, #tpu.memory_space<vmem>>, vector<16xf32>,
      %broadcast_in_dim3A_108 = arith.constant 14 : i32
      %broadcast_in_dim3A_109 = vector.broadcast %broadcast_in_dim3A_108 : i32 to vector<16xi32>
      tpu.vector_store_idx %arg7[%add3A_21, %broadcast_in_dim3A_109], %get3A_107 : memref<3136x16xf32, #tpu.memory_space<vmem>>[vector<16xi32>, vector<16xi32>], vector<16xf32>,
      %get3A_110 = arith.constant 15 : i32
      %get3A_111 = arith.index_cast %get3A_110 : i32 to index
      %get3A_112 = arith.index_cast %mul3A_19 : i32 to index
      %get3A_113 = tpu.vector_load %arg6[%get3A_111, %get3A_112] {strides = array<i32>} : memref<16x3136xf32, #tpu.memory_space<vmem>>, vector<16xf32>,
      %broadcast_in_dim3A_114 = arith.constant 15 : i32
      %broadcast_in_dim3A_115 = vector.broadcast %broadcast_in_dim3A_114 : i32 to vector<16xi32>
      tpu.vector_store_idx %arg7[%add3A_21, %broadcast_in_dim3A_115], %get3A_113 : memref<3136x16xf32, #tpu.memory_space<vmem>>[vector<16xi32>, vector<16xi32>], vector<16xf32>,
    }
    %scan3A_8 = arith.constant 196 : i32
    "tpu.region"() ({
      %run_scoped3A = tpu.sem_alloc : memref<!tpu.dma_semaphore, #tpu.memory_space<semaphore_mem>>
      %dma_start3A = arith.constant 0 : i32
      %dma_start3A_17 = tpu.memref_slice %arg4[%min3A_3, %dma_start3A] : memref<100000x16xf32, #tpu.memory_space<hbm>> -> memref<3136x16xf32, #tpu.memory_space<hbm>>
      %dma_start3A_18 = arith.constant 0 : i32
      %dma_start3A_19 = tpu.memref_slice %arg4[%min3A_3, %dma_start3A_18] : memref<100000x16xf32, #tpu.memory_space<hbm>> -> memref<3136x16xf32, #tpu.memory_space<hbm>>
      tpu.enqueue_dma source(%arg7 : memref<3136x16xf32, #tpu.memory_space<vmem>>) target(%dma_start3A_19 : memref<3136x16xf32, #tpu.memory_space<hbm>>) target_semaphore(%run_scoped3A : memref<!tpu.dma_semaphore, #tpu.memory_space<semaphore_mem>>)
      %dma_wait3A = arith.constant 0 : i32
      %dma_wait3A_20 = tpu.memref_slice %arg4[%min3A_3, %dma_wait3A] : memref<100000x16xf32, #tpu.memory_space<hbm>> -> memref<3136x16xf32, #tpu.memory_space<hbm>>
      %dma_wait3A_21 = arith.constant 0 : i32
      %dma_wait3A_22 = tpu.memref_slice %arg4[%min3A_3, %dma_wait3A_21] : memref<100000x16xf32, #tpu.memory_space<hbm>> -> memref<3136x16xf32, #tpu.memory_space<hbm>>
      tpu.wait_dma2 semaphore(%run_scoped3A : memref<!tpu.dma_semaphore, #tpu.memory_space<semaphore_mem>>) src(%arg7 : memref<3136x16xf32, #tpu.memory_space<vmem>>) dst(%dma_wait3A_22 : memref<3136x16xf32, #tpu.memory_space<hbm>>)
      tpu.yield
    }) : () -> ()
    %mul3A_9 = arith.constant 3136 : i32
    %mul3A_10 = arith.muli %add3A, %mul3A_9 : i32
    "tpu.region"() ({
      %run_scoped3A = tpu.sem_alloc : memref<!tpu.dma_semaphore, #tpu.memory_space<semaphore_mem>>
      %dma_start3A = arith.constant 0 : i32
      %dma_start3A_17 = tpu.memref_slice %arg3[%dma_start3A, %mul3A_10] : memref<16x100352xf32, #tpu.memory_space<hbm>> -> memref<16x3136xf32, #tpu.memory_space<hbm>>
      %dma_start3A_18 = arith.constant 0 : i32
      %dma_start3A_19 = tpu.memref_slice %arg3[%dma_start3A_18, %mul3A_10] : memref<16x100352xf32, #tpu.memory_space<hbm>> -> memref<16x3136xf32, #tpu.memory_space<hbm>>
      tpu.enqueue_dma source(%dma_start3A_19 : memref<16x3136xf32, #tpu.memory_space<hbm>>) target(%arg6 : memref<16x3136xf32, #tpu.memory_space<vmem>>) target_semaphore(%run_scoped3A : memref<!tpu.dma_semaphore, #tpu.memory_space<semaphore_mem>>)
      %dma_wait3A = arith.constant 0 : i32
      %dma_wait3A_20 = tpu.memref_slice %arg3[%dma_wait3A, %mul3A_10] : memref<16x100352xf32, #tpu.memory_space<hbm>> -> memref<16x3136xf32, #tpu.memory_space<hbm>>
      %dma_wait3A_21 = arith.constant 0 : i32
      %dma_wait3A_22 = tpu.memref_slice %arg3[%dma_wait3A_21, %mul3A_10] : memref<16x100352xf32, #tpu.memory_space<hbm>> -> memref<16x3136xf32, #tpu.memory_space<hbm>>
      tpu.wait_dma2 semaphore(%run_scoped3A : memref<!tpu.dma_semaphore, #tpu.memory_space<semaphore_mem>>) src(%dma_wait3A_22 : memref<16x3136xf32, #tpu.memory_space<hbm>>) dst(%arg6 : memref<16x3136xf32, #tpu.memory_space<vmem>>)
      tpu.yield
    }) : () -> ()
    %scan3A_11 = arith.constant 0 : i32
    %scan3A_12 = arith.constant 0 : i32
    %scan3A_13 = arith.constant 196 : i32
    %scan3A_14 = arith.addi %scan3A_12, %scan3A_13 : i32
    %scan3A_15 = arith.constant 1 : i32
    scf.for %scan3A_17 = %scan3A_12 to %scan3A_14 step %scan3A_15  : i32 {
      %mul3A_18 = arith.constant 16 : i32
      %mul3A_19 = arith.muli %scan3A_17, %mul3A_18 : i32
      %add3A_20 = vector.broadcast %mul3A_19 : i32 to vector<16xi32>
      %add3A_21 = arith.addi %add3A_20, %iota3A : vector<16xi32>
      %get3A = arith.constant 0 : i32
      %get3A_22 = arith.index_cast %get3A : i32 to index
      %get3A_23 = arith.index_cast %mul3A_19 : i32 to index
      %get3A_24 = tpu.vector_load %arg6[%get3A_22, %get3A_23] {strides = array<i32>} : memref<16x3136xf32, #tpu.memory_space<vmem>>, vector<16xf32>,
      %broadcast_in_dim3A = arith.constant 0 : i32
      %broadcast_in_dim3A_25 = vector.broadcast %broadcast_in_dim3A : i32 to vector<16xi32>
      tpu.vector_store_idx %arg7[%add3A_21, %broadcast_in_dim3A_25], %get3A_24 : memref<3136x16xf32, #tpu.memory_space<vmem>>[vector<16xi32>, vector<16xi32>], vector<16xf32>,
      %get3A_26 = arith.constant 1 : i32
      %get3A_27 = arith.index_cast %get3A_26 : i32 to index
      %get3A_28 = arith.index_cast %mul3A_19 : i32 to index
      %get3A_29 = tpu.vector_load %arg6[%get3A_27, %get3A_28] {strides = array<i32>} : memref<16x3136xf32, #tpu.memory_space<vmem>>, vector<16xf32>,
      %broadcast_in_dim3A_30 = arith.constant 1 : i32
      %broadcast_in_dim3A_31 = vector.broadcast %broadcast_in_dim3A_30 : i32 to vector<16xi32>
      tpu.vector_store_idx %arg7[%add3A_21, %broadcast_in_dim3A_31], %get3A_29 : memref<3136x16xf32, #tpu.memory_space<vmem>>[vector<16xi32>, vector<16xi32>], vector<16xf32>,
      %get3A_32 = arith.constant 2 : i32
      %get3A_33 = arith.index_cast %get3A_32 : i32 to index
      %get3A_34 = arith.index_cast %mul3A_19 : i32 to index
      %get3A_35 = tpu.vector_load %arg6[%get3A_33, %get3A_34] {strides = array<i32>} : memref<16x3136xf32, #tpu.memory_space<vmem>>, vector<16xf32>,
      %broadcast_in_dim3A_36 = arith.constant 2 : i32
      %broadcast_in_dim3A_37 = vector.broadcast %broadcast_in_dim3A_36 : i32 to vector<16xi32>
      tpu.vector_store_idx %arg7[%add3A_21, %broadcast_in_dim3A_37], %get3A_35 : memref<3136x16xf32, #tpu.memory_space<vmem>>[vector<16xi32>, vector<16xi32>], vector<16xf32>,
      %get3A_38 = arith.constant 3 : i32
      %get3A_39 = arith.index_cast %get3A_38 : i32 to index
      %get3A_40 = arith.index_cast %mul3A_19 : i32 to index
      %get3A_41 = tpu.vector_load %arg6[%get3A_39, %get3A_40] {strides = array<i32>} : memref<16x3136xf32, #tpu.memory_space<vmem>>, vector<16xf32>,
      %broadcast_in_dim3A_42 = arith.constant 3 : i32
      %broadcast_in_dim3A_43 = vector.broadcast %broadcast_in_dim3A_42 : i32 to vector<16xi32>
      tpu.vector_store_idx %arg7[%add3A_21, %broadcast_in_dim3A_43], %get3A_41 : memref<3136x16xf32, #tpu.memory_space<vmem>>[vector<16xi32>, vector<16xi32>], vector<16xf32>,
      %get3A_44 = arith.constant 4 : i32
      %get3A_45 = arith.index_cast %get3A_44 : i32 to index
      %get3A_46 = arith.index_cast %mul3A_19 : i32 to index
      %get3A_47 = tpu.vector_load %arg6[%get3A_45, %get3A_46] {strides = array<i32>} : memref<16x3136xf32, #tpu.memory_space<vmem>>, vector<16xf32>,
      %broadcast_in_dim3A_48 = arith.constant 4 : i32
      %broadcast_in_dim3A_49 = vector.broadcast %broadcast_in_dim3A_48 : i32 to vector<16xi32>
      tpu.vector_store_idx %arg7[%add3A_21, %broadcast_in_dim3A_49], %get3A_47 : memref<3136x16xf32, #tpu.memory_space<vmem>>[vector<16xi32>, vector<16xi32>], vector<16xf32>,
      %get3A_50 = arith.constant 5 : i32
      %get3A_51 = arith.index_cast %get3A_50 : i32 to index
      %get3A_52 = arith.index_cast %mul3A_19 : i32 to index
      %get3A_53 = tpu.vector_load %arg6[%get3A_51, %get3A_52] {strides = array<i32>} : memref<16x3136xf32, #tpu.memory_space<vmem>>, vector<16xf32>,
      %broadcast_in_dim3A_54 = arith.constant 5 : i32
      %broadcast_in_dim3A_55 = vector.broadcast %broadcast_in_dim3A_54 : i32 to vector<16xi32>
      tpu.vector_store_idx %arg7[%add3A_21, %broadcast_in_dim3A_55], %get3A_53 : memref<3136x16xf32, #tpu.memory_space<vmem>>[vector<16xi32>, vector<16xi32>], vector<16xf32>,
      %get3A_56 = arith.constant 6 : i32
      %get3A_57 = arith.index_cast %get3A_56 : i32 to index
      %get3A_58 = arith.index_cast %mul3A_19 : i32 to index
      %get3A_59 = tpu.vector_load %arg6[%get3A_57, %get3A_58] {strides = array<i32>} : memref<16x3136xf32, #tpu.memory_space<vmem>>, vector<16xf32>,
      %broadcast_in_dim3A_60 = arith.constant 6 : i32
      %broadcast_in_dim3A_61 = vector.broadcast %broadcast_in_dim3A_60 : i32 to vector<16xi32>
      tpu.vector_store_idx %arg7[%add3A_21, %broadcast_in_dim3A_61], %get3A_59 : memref<3136x16xf32, #tpu.memory_space<vmem>>[vector<16xi32>, vector<16xi32>], vector<16xf32>,
      %get3A_62 = arith.constant 7 : i32
      %get3A_63 = arith.index_cast %get3A_62 : i32 to index
      %get3A_64 = arith.index_cast %mul3A_19 : i32 to index
      %get3A_65 = tpu.vector_load %arg6[%get3A_63, %get3A_64] {strides = array<i32>} : memref<16x3136xf32, #tpu.memory_space<vmem>>, vector<16xf32>,
      %broadcast_in_dim3A_66 = arith.constant 7 : i32
      %broadcast_in_dim3A_67 = vector.broadcast %broadcast_in_dim3A_66 : i32 to vector<16xi32>
      tpu.vector_store_idx %arg7[%add3A_21, %broadcast_in_dim3A_67], %get3A_65 : memref<3136x16xf32, #tpu.memory_space<vmem>>[vector<16xi32>, vector<16xi32>], vector<16xf32>,
      %get3A_68 = arith.constant 8 : i32
      %get3A_69 = arith.index_cast %get3A_68 : i32 to index
      %get3A_70 = arith.index_cast %mul3A_19 : i32 to index
      %get3A_71 = tpu.vector_load %arg6[%get3A_69, %get3A_70] {strides = array<i32>} : memref<16x3136xf32, #tpu.memory_space<vmem>>, vector<16xf32>,
      %broadcast_in_dim3A_72 = arith.constant 8 : i32
      %broadcast_in_dim3A_73 = vector.broadcast %broadcast_in_dim3A_72 : i32 to vector<16xi32>
      tpu.vector_store_idx %arg7[%add3A_21, %broadcast_in_dim3A_73], %get3A_71 : memref<3136x16xf32, #tpu.memory_space<vmem>>[vector<16xi32>, vector<16xi32>], vector<16xf32>,
      %get3A_74 = arith.constant 9 : i32
      %get3A_75 = arith.index_cast %get3A_74 : i32 to index
      %get3A_76 = arith.index_cast %mul3A_19 : i32 to index
      %get3A_77 = tpu.vector_load %arg6[%get3A_75, %get3A_76] {strides = array<i32>} : memref<16x3136xf32, #tpu.memory_space<vmem>>, vector<16xf32>,
      %broadcast_in_dim3A_78 = arith.constant 9 : i32
      %broadcast_in_dim3A_79 = vector.broadcast %broadcast_in_dim3A_78 : i32 to vector<16xi32>
      tpu.vector_store_idx %arg7[%add3A_21, %broadcast_in_dim3A_79], %get3A_77 : memref<3136x16xf32, #tpu.memory_space<vmem>>[vector<16xi32>, vector<16xi32>], vector<16xf32>,
      %get3A_80 = arith.constant 10 : i32
      %get3A_81 = arith.index_cast %get3A_80 : i32 to index
      %get3A_82 = arith.index_cast %mul3A_19 : i32 to index
      %get3A_83 = tpu.vector_load %arg6[%get3A_81, %get3A_82] {strides = array<i32>} : memref<16x3136xf32, #tpu.memory_space<vmem>>, vector<16xf32>,
      %broadcast_in_dim3A_84 = arith.constant 10 : i32
      %broadcast_in_dim3A_85 = vector.broadcast %broadcast_in_dim3A_84 : i32 to vector<16xi32>
      tpu.vector_store_idx %arg7[%add3A_21, %broadcast_in_dim3A_85], %get3A_83 : memref<3136x16xf32, #tpu.memory_space<vmem>>[vector<16xi32>, vector<16xi32>], vector<16xf32>,
      %get3A_86 = arith.constant 11 : i32
      %get3A_87 = arith.index_cast %get3A_86 : i32 to index
      %get3A_88 = arith.index_cast %mul3A_19 : i32 to index
      %get3A_89 = tpu.vector_load %arg6[%get3A_87, %get3A_88] {strides = array<i32>} : memref<16x3136xf32, #tpu.memory_space<vmem>>, vector<16xf32>,
      %broadcast_in_dim3A_90 = arith.constant 11 : i32
      %broadcast_in_dim3A_91 = vector.broadcast %broadcast_in_dim3A_90 : i32 to vector<16xi32>
      tpu.vector_store_idx %arg7[%add3A_21, %broadcast_in_dim3A_91], %get3A_89 : memref<3136x16xf32, #tpu.memory_space<vmem>>[vector<16xi32>, vector<16xi32>], vector<16xf32>,
      %get3A_92 = arith.constant 12 : i32
      %get3A_93 = arith.index_cast %get3A_92 : i32 to index
      %get3A_94 = arith.index_cast %mul3A_19 : i32 to index
      %get3A_95 = tpu.vector_load %arg6[%get3A_93, %get3A_94] {strides = array<i32>} : memref<16x3136xf32, #tpu.memory_space<vmem>>, vector<16xf32>,
      %broadcast_in_dim3A_96 = arith.constant 12 : i32
      %broadcast_in_dim3A_97 = vector.broadcast %broadcast_in_dim3A_96 : i32 to vector<16xi32>
      tpu.vector_store_idx %arg7[%add3A_21, %broadcast_in_dim3A_97], %get3A_95 : memref<3136x16xf32, #tpu.memory_space<vmem>>[vector<16xi32>, vector<16xi32>], vector<16xf32>,
      %get3A_98 = arith.constant 13 : i32
      %get3A_99 = arith.index_cast %get3A_98 : i32 to index
      %get3A_100 = arith.index_cast %mul3A_19 : i32 to index
      %get3A_101 = tpu.vector_load %arg6[%get3A_99, %get3A_100] {strides = array<i32>} : memref<16x3136xf32, #tpu.memory_space<vmem>>, vector<16xf32>,
      %broadcast_in_dim3A_102 = arith.constant 13 : i32
      %broadcast_in_dim3A_103 = vector.broadcast %broadcast_in_dim3A_102 : i32 to vector<16xi32>
      tpu.vector_store_idx %arg7[%add3A_21, %broadcast_in_dim3A_103], %get3A_101 : memref<3136x16xf32, #tpu.memory_space<vmem>>[vector<16xi32>, vector<16xi32>], vector<16xf32>,
      %get3A_104 = arith.constant 14 : i32
      %get3A_105 = arith.index_cast %get3A_104 : i32 to index
      %get3A_106 = arith.index_cast %mul3A_19 : i32 to index
      %get3A_107 = tpu.vector_load %arg6[%get3A_105, %get3A_106] {strides = array<i32>} : memref<16x3136xf32, #tpu.memory_space<vmem>>, vector<16xf32>,
      %broadcast_in_dim3A_108 = arith.constant 14 : i32
      %broadcast_in_dim3A_109 = vector.broadcast %broadcast_in_dim3A_108 : i32 to vector<16xi32>
      tpu.vector_store_idx %arg7[%add3A_21, %broadcast_in_dim3A_109], %get3A_107 : memref<3136x16xf32, #tpu.memory_space<vmem>>[vector<16xi32>, vector<16xi32>], vector<16xf32>,
      %get3A_110 = arith.constant 15 : i32
      %get3A_111 = arith.index_cast %get3A_110 : i32 to index
      %get3A_112 = arith.index_cast %mul3A_19 : i32 to index
      %get3A_113 = tpu.vector_load %arg6[%get3A_111, %get3A_112] {strides = array<i32>} : memref<16x3136xf32, #tpu.memory_space<vmem>>, vector<16xf32>,
      %broadcast_in_dim3A_114 = arith.constant 15 : i32
      %broadcast_in_dim3A_115 = vector.broadcast %broadcast_in_dim3A_114 : i32 to vector<16xi32>
      tpu.vector_store_idx %arg7[%add3A_21, %broadcast_in_dim3A_115], %get3A_113 : memref<3136x16xf32, #tpu.memory_space<vmem>>[vector<16xi32>, vector<16xi32>], vector<16xf32>,
    }
    %scan3A_16 = arith.constant 196 : i32
    "tpu.region"() ({
      %run_scoped3A = tpu.sem_alloc : memref<!tpu.dma_semaphore, #tpu.memory_space<semaphore_mem>>
      %dma_start3A = arith.constant 0 : i32
      %dma_start3A_17 = tpu.memref_slice %arg5[%mul3A_10, %dma_start3A] : memref<100352x16xf32, #tpu.memory_space<hbm>> -> memref<3136x16xf32, #tpu.memory_space<hbm>>
      %dma_start3A_18 = arith.constant 0 : i32
      %dma_start3A_19 = tpu.memref_slice %arg5[%mul3A_10, %dma_start3A_18] : memref<100352x16xf32, #tpu.memory_space<hbm>> -> memref<3136x16xf32, #tpu.memory_space<hbm>>
      tpu.enqueue_dma source(%arg7 : memref<3136x16xf32, #tpu.memory_space<vmem>>) target(%dma_start3A_19 : memref<3136x16xf32, #tpu.memory_space<hbm>>) target_semaphore(%run_scoped3A : memref<!tpu.dma_semaphore, #tpu.memory_space<semaphore_mem>>)
      %dma_wait3A = arith.constant 0 : i32
      %dma_wait3A_20 = tpu.memref_slice %arg5[%mul3A_10, %dma_wait3A] : memref<100352x16xf32, #tpu.memory_space<hbm>> -> memref<3136x16xf32, #tpu.memory_space<hbm>>
      %dma_wait3A_21 = arith.constant 0 : i32
      %dma_wait3A_22 = tpu.memref_slice %arg5[%mul3A_10, %dma_wait3A_21] : memref<100352x16xf32, #tpu.memory_space<hbm>> -> memref<3136x16xf32, #tpu.memory_space<hbm>>
      tpu.wait_dma2 semaphore(%run_scoped3A : memref<!tpu.dma_semaphore, #tpu.memory_space<semaphore_mem>>) src(%arg7 : memref<3136x16xf32, #tpu.memory_space<vmem>>) dst(%dma_wait3A_22 : memref<3136x16xf32, #tpu.memory_space<hbm>>)
      tpu.yield
    }) : () -> ()
    return
  }
}

module attributes {stable_mosaic.version = 14 : i64} {
  func.func @_tc_body(%arg0: i32, %arg1: memref<1024x416xf32, #tpu.memory_space<vmem>>, %arg2: memref<1024x416xf32, #tpu.memory_space<vmem>>, %arg3: memref<416x256xf32, #tpu.memory_space<vmem>>, %arg4: memref<1x256xf32, #tpu.memory_space<vmem>>, %arg5: memref<256x16xf32, #tpu.memory_space<vmem>>, %arg6: memref<1x16xf32, #tpu.memory_space<vmem>>, %arg7: memref<16x416x512xf32, #tpu.memory_space<vmem>>, %arg8: memref<16x512xf32, #tpu.memory_space<vmem>>, %arg9: memref<8192x16xf32, #tpu.memory_space<vmem>>, %arg10: memref<1x16xf32, #tpu.memory_space<vmem>>, %arg11: memref<1024x1xf32, #tpu.memory_space<vmem>>, %arg12: memref<1x1xf32, #tpu.memory_space<vmem>>, %arg13: memref<1x1xf32, #tpu.memory_space<vmem>>, %arg14: memref<16x1xf32, #tpu.memory_space<vmem>>, %arg15: memref<1x1xf32, #tpu.memory_space<vmem>>) attributes {dimension_semantics = [#tpu.dimension_semantics<arbitrary>], iteration_bounds = array<i64: 4>, scalar_prefetch = 0 : i64, scratch_operands = 2 : i64, tpu.core_type = #tpu.core_type<tc>, window_params = [{transform_indices = @transform_0, window_bounds = array<i64: 1024, 416>}, {transform_indices = @transform_1, window_bounds = array<i64: 1024, 416>}, {pipeline_mode = #tpu.pipeline_mode<synchronous>, transform_indices = @transform_2, window_bounds = array<i64: 416, 256>}, {pipeline_mode = #tpu.pipeline_mode<synchronous>, transform_indices = @transform_3, window_bounds = array<i64: 1, 256>}, {pipeline_mode = #tpu.pipeline_mode<synchronous>, transform_indices = @transform_4, window_bounds = array<i64: 256, 16>}, {pipeline_mode = #tpu.pipeline_mode<synchronous>, transform_indices = @transform_5, window_bounds = array<i64: 1, 16>}, {pipeline_mode = #tpu.pipeline_mode<synchronous>, transform_indices = @transform_6, window_bounds = array<i64: 16, 416, 512>}, {pipeline_mode = #tpu.pipeline_mode<synchronous>, transform_indices = @transform_7, window_bounds = array<i64: 16, 512>}, {pipeline_mode = #tpu.pipeline_mode<synchronous>, transform_indices = @transform_8, window_bounds = array<i64: 8192, 16>}, {pipeline_mode = #tpu.pipeline_mode<synchronous>, transform_indices = @transform_9, window_bounds = array<i64: 1, 16>}, {transform_indices = @transform_10, window_bounds = array<i64: 1024, 1>}, {pipeline_mode = #tpu.pipeline_mode<synchronous>, transform_indices = @transform_11, window_bounds = array<i64: 1, 1>}, {pipeline_mode = #tpu.pipeline_mode<synchronous>, transform_indices = @transform_12, window_bounds = array<i64: 1, 1>}]} {
    %get3A = arith.constant 0 : index
    %get3A_0 = arith.constant 0 : index
    %get3A_1 = vector.load %arg1[%get3A, %get3A_0] : memref<1024x416xf32, #tpu.memory_space<vmem>>, vector<1024x416xf32>
    %get3A_2 = arith.constant 0 : index
    %get3A_3 = arith.constant 0 : index
    %get3A_4 = vector.load %arg3[%get3A_2, %get3A_3] : memref<416x256xf32, #tpu.memory_space<vmem>>, vector<416x256xf32>
    %dot_general3A = arith.constant dense<0.000000e+00> : vector<1024x256xf32>
    %dot_general3A_5 = tpu.matmul %get3A_1, %get3A_4, %dot_general3A {dimension_numbers = #tpu.dot_dimension_numbers<[1], [0], [0], [1], [0, 0, 1, 1], [], []>, transpose_lhs_hint = false} : vector<1024x416xf32>, vector<416x256xf32>, vector<1024x256xf32> -> vector<1024x256xf32>
    %get3A_6 = arith.constant 0 : index
    %get3A_7 = arith.constant 0 : index
    %get3A_8 = vector.load %arg4[%get3A_6, %get3A_7] : memref<1x256xf32, #tpu.memory_space<vmem>>, vector<1x256xf32>
    %add3A = vector.broadcast %get3A_8 : vector<1x256xf32> to vector<1024x256xf32>
    %add3A_9 = arith.addf %dot_general3A_5, %add3A : vector<1024x256xf32>
    %max3A = arith.constant 0.000000e+00 : f32
    %max3A_10 = vector.broadcast %max3A : f32 to vector<1024x256xf32>
    %max3A_11 = arith.maximumf %add3A_9, %max3A_10 : vector<1024x256xf32>
    %get3A_12 = arith.constant 0 : index
    %get3A_13 = arith.constant 0 : index
    %get3A_14 = vector.load %arg5[%get3A_12, %get3A_13] : memref<256x16xf32, #tpu.memory_space<vmem>>, vector<256x16xf32>
    %dot_general3A_15 = arith.constant dense<0.000000e+00> : vector<1024x16xf32>
    %dot_general3A_16 = tpu.matmul %max3A_11, %get3A_14, %dot_general3A_15 {dimension_numbers = #tpu.dot_dimension_numbers<[1], [0], [0], [1], [0, 0, 1, 1], [], []>, transpose_lhs_hint = false} : vector<1024x256xf32>, vector<256x16xf32>, vector<1024x16xf32> -> vector<1024x16xf32>
    %get3A_17 = arith.constant 0 : index
    %get3A_18 = arith.constant 0 : index
    %get3A_19 = vector.load %arg6[%get3A_17, %get3A_18] : memref<1x16xf32, #tpu.memory_space<vmem>>, vector<1x16xf32>
    %add3A_20 = vector.broadcast %get3A_19 : vector<1x16xf32> to vector<1024x16xf32>
    %add3A_21 = arith.addf %dot_general3A_16, %add3A_20 : vector<1024x16xf32>
    %transpose3A = tpu.transpose %add3A_21, [1, 0] : vector<1024x16xf32> -> vector<16x1024xf32>
    %iota3A = tpu.iota {dimensions = array<i32: 0>} : vector<16x1024xi32>
    %broadcast_in_dim3A = arith.constant 0.000000e+00 : f32
    %broadcast_in_dim3A_22 = vector.broadcast %broadcast_in_dim3A : f32 to vector<1x1024xf32>
    %broadcast_in_dim3A_23 = arith.constant 0.000000e+00 : f32
    %broadcast_in_dim3A_24 = vector.broadcast %broadcast_in_dim3A_23 : f32 to vector<1x1024xf32>
    %slice3A = vector.extract_strided_slice %transpose3A {offsets = [0, 0], sizes = [1, 1024], strides = [1, 1]} : vector<16x1024xf32> to vector<1x1024xf32>
    %gt3A = vector.broadcast %slice3A : vector<1x1024xf32> to vector<16x1024xf32>
    %gt3A_25 = arith.cmpf ogt, %transpose3A, %gt3A : vector<16x1024xf32>
    %eq3A = vector.broadcast %slice3A : vector<1x1024xf32> to vector<16x1024xf32>
    %eq3A_26 = arith.cmpf oeq, %transpose3A, %eq3A : vector<16x1024xf32>
    %lt3A = arith.constant 0 : i32
    %lt3A_27 = vector.broadcast %lt3A : i32 to vector<16x1024xi32>
    %lt3A_28 = arith.cmpi slt, %iota3A, %lt3A_27 : vector<16x1024xi32>
    %and3A = arith.andi %eq3A_26, %lt3A_28 : vector<16x1024xi1>
    %or3A = arith.ori %gt3A_25, %and3A : vector<16x1024xi1>
    %convert_element_type3A = arith.extui %or3A : vector<16x1024xi1> to vector<16x1024xi32>
    %convert_element_type3A_29 = arith.sitofp %convert_element_type3A : vector<16x1024xi32> to vector<16x1024xf32>
    %reduce_sum3A = arith.constant dense<0.000000e+00> : vector<1024xf32>
    %reduce_sum3A_30 = vector.multi_reduction <add>, %convert_element_type3A_29, %reduce_sum3A [0] : vector<16x1024xf32> to vector<1024xf32>
    %broadcast_in_dim3A_31 = vector.shape_cast %reduce_sum3A_30 : vector<1024xf32> to vector<1x1024xf32>
    %add3A_32 = arith.constant 1.000000e+00 : f32
    %add3A_33 = vector.broadcast %add3A_32 : f32 to vector<1x1024xf32>
    %add3A_34 = arith.addf %add3A_33, %broadcast_in_dim3A_31 : vector<1x1024xf32>
    %jit3A = arith.constant 0.000000e+00 : f32
    %broadcast_in_dim3A_35 = vector.broadcast %jit3A : f32 to vector<16x1024xf32>
    %select_n3A = arith.select %or3A, %transpose3A, %broadcast_in_dim3A_35 : vector<16x1024xi1>, vector<16x1024xf32>
    %reduce_sum3A_36 = arith.constant dense<0.000000e+00> : vector<1024xf32>
    %reduce_sum3A_37 = vector.multi_reduction <add>, %select_n3A, %reduce_sum3A_36 [0] : vector<16x1024xf32> to vector<1024xf32>
    %broadcast_in_dim3A_38 = vector.shape_cast %reduce_sum3A_37 : vector<1024xf32> to vector<1x1024xf32>
    %add3A_39 = arith.addf %slice3A, %broadcast_in_dim3A_38 : vector<1x1024xf32>
    %mul3A = arith.mulf %add3A_34, %slice3A : vector<1x1024xf32>
    %add3A_40 = arith.constant 1.000000e+00 : f32
    %add3A_41 = vector.broadcast %add3A_40 : f32 to vector<1x1024xf32>
    %add3A_42 = arith.addf %add3A_41, %mul3A : vector<1x1024xf32>
    %gt3A_43 = arith.cmpf ogt, %add3A_42, %add3A_39 : vector<1x1024xf32>
    %convert_element_type3A_44 = arith.extui %gt3A_43 : vector<1x1024xi1> to vector<1x1024xi32>
    %convert_element_type3A_45 = arith.sitofp %convert_element_type3A_44 : vector<1x1024xi32> to vector<1x1024xf32>
    %add3A_46 = arith.addf %broadcast_in_dim3A_22, %convert_element_type3A_45 : vector<1x1024xf32>
    %jit3A_47 = arith.constant 0.000000e+00 : f32
    %broadcast_in_dim3A_48 = vector.broadcast %jit3A_47 : f32 to vector<1x1024xf32>
    %select_n3A_49 = arith.select %gt3A_43, %slice3A, %broadcast_in_dim3A_48 : vector<1x1024xi1>, vector<1x1024xf32>
    %add3A_50 = arith.addf %broadcast_in_dim3A_24, %select_n3A_49 : vector<1x1024xf32>
    %slice3A_51 = vector.extract_strided_slice %transpose3A {offsets = [1, 0], sizes = [1, 1024], strides = [1, 1]} : vector<16x1024xf32> to vector<1x1024xf32>
    %gt3A_52 = vector.broadcast %slice3A_51 : vector<1x1024xf32> to vector<16x1024xf32>
    %gt3A_53 = arith.cmpf ogt, %transpose3A, %gt3A_52 : vector<16x1024xf32>
    %eq3A_54 = vector.broadcast %slice3A_51 : vector<1x1024xf32> to vector<16x1024xf32>
    %eq3A_55 = arith.cmpf oeq, %transpose3A, %eq3A_54 : vector<16x1024xf32>
    %lt3A_56 = arith.constant 1 : i32
    %lt3A_57 = vector.broadcast %lt3A_56 : i32 to vector<16x1024xi32>
    %lt3A_58 = arith.cmpi slt, %iota3A, %lt3A_57 : vector<16x1024xi32>
    %and3A_59 = arith.andi %eq3A_55, %lt3A_58 : vector<16x1024xi1>
    %or3A_60 = arith.ori %gt3A_53, %and3A_59 : vector<16x1024xi1>
    %convert_element_type3A_61 = arith.extui %or3A_60 : vector<16x1024xi1> to vector<16x1024xi32>
    %convert_element_type3A_62 = arith.sitofp %convert_element_type3A_61 : vector<16x1024xi32> to vector<16x1024xf32>
    %reduce_sum3A_63 = arith.constant dense<0.000000e+00> : vector<1024xf32>
    %reduce_sum3A_64 = vector.multi_reduction <add>, %convert_element_type3A_62, %reduce_sum3A_63 [0] : vector<16x1024xf32> to vector<1024xf32>
    %broadcast_in_dim3A_65 = vector.shape_cast %reduce_sum3A_64 : vector<1024xf32> to vector<1x1024xf32>
    %add3A_66 = arith.constant 1.000000e+00 : f32
    %add3A_67 = vector.broadcast %add3A_66 : f32 to vector<1x1024xf32>
    %add3A_68 = arith.addf %add3A_67, %broadcast_in_dim3A_65 : vector<1x1024xf32>
    %jit3A_69 = arith.constant 0.000000e+00 : f32
    %broadcast_in_dim3A_70 = vector.broadcast %jit3A_69 : f32 to vector<16x1024xf32>
    %select_n3A_71 = arith.select %or3A_60, %transpose3A, %broadcast_in_dim3A_70 : vector<16x1024xi1>, vector<16x1024xf32>
    %reduce_sum3A_72 = arith.constant dense<0.000000e+00> : vector<1024xf32>
    %reduce_sum3A_73 = vector.multi_reduction <add>, %select_n3A_71, %reduce_sum3A_72 [0] : vector<16x1024xf32> to vector<1024xf32>
    %broadcast_in_dim3A_74 = vector.shape_cast %reduce_sum3A_73 : vector<1024xf32> to vector<1x1024xf32>
    %add3A_75 = arith.addf %slice3A_51, %broadcast_in_dim3A_74 : vector<1x1024xf32>
    %mul3A_76 = arith.mulf %add3A_68, %slice3A_51 : vector<1x1024xf32>
    %add3A_77 = arith.constant 1.000000e+00 : f32
    %add3A_78 = vector.broadcast %add3A_77 : f32 to vector<1x1024xf32>
    %add3A_79 = arith.addf %add3A_78, %mul3A_76 : vector<1x1024xf32>
    %gt3A_80 = arith.cmpf ogt, %add3A_79, %add3A_75 : vector<1x1024xf32>
    %convert_element_type3A_81 = arith.extui %gt3A_80 : vector<1x1024xi1> to vector<1x1024xi32>
    %convert_element_type3A_82 = arith.sitofp %convert_element_type3A_81 : vector<1x1024xi32> to vector<1x1024xf32>
    %add3A_83 = arith.addf %add3A_46, %convert_element_type3A_82 : vector<1x1024xf32>
    %jit3A_84 = arith.constant 0.000000e+00 : f32
    %broadcast_in_dim3A_85 = vector.broadcast %jit3A_84 : f32 to vector<1x1024xf32>
    %select_n3A_86 = arith.select %gt3A_80, %slice3A_51, %broadcast_in_dim3A_85 : vector<1x1024xi1>, vector<1x1024xf32>
    %add3A_87 = arith.addf %add3A_50, %select_n3A_86 : vector<1x1024xf32>
    %slice3A_88 = vector.extract_strided_slice %transpose3A {offsets = [2, 0], sizes = [1, 1024], strides = [1, 1]} : vector<16x1024xf32> to vector<1x1024xf32>
    %gt3A_89 = vector.broadcast %slice3A_88 : vector<1x1024xf32> to vector<16x1024xf32>
    %gt3A_90 = arith.cmpf ogt, %transpose3A, %gt3A_89 : vector<16x1024xf32>
    %eq3A_91 = vector.broadcast %slice3A_88 : vector<1x1024xf32> to vector<16x1024xf32>
    %eq3A_92 = arith.cmpf oeq, %transpose3A, %eq3A_91 : vector<16x1024xf32>
    %lt3A_93 = arith.constant 2 : i32
    %lt3A_94 = vector.broadcast %lt3A_93 : i32 to vector<16x1024xi32>
    %lt3A_95 = arith.cmpi slt, %iota3A, %lt3A_94 : vector<16x1024xi32>
    %and3A_96 = arith.andi %eq3A_92, %lt3A_95 : vector<16x1024xi1>
    %or3A_97 = arith.ori %gt3A_90, %and3A_96 : vector<16x1024xi1>
    %convert_element_type3A_98 = arith.extui %or3A_97 : vector<16x1024xi1> to vector<16x1024xi32>
    %convert_element_type3A_99 = arith.sitofp %convert_element_type3A_98 : vector<16x1024xi32> to vector<16x1024xf32>
    %reduce_sum3A_100 = arith.constant dense<0.000000e+00> : vector<1024xf32>
    %reduce_sum3A_101 = vector.multi_reduction <add>, %convert_element_type3A_99, %reduce_sum3A_100 [0] : vector<16x1024xf32> to vector<1024xf32>
    %broadcast_in_dim3A_102 = vector.shape_cast %reduce_sum3A_101 : vector<1024xf32> to vector<1x1024xf32>
    %add3A_103 = arith.constant 1.000000e+00 : f32
    %add3A_104 = vector.broadcast %add3A_103 : f32 to vector<1x1024xf32>
    %add3A_105 = arith.addf %add3A_104, %broadcast_in_dim3A_102 : vector<1x1024xf32>
    %jit3A_106 = arith.constant 0.000000e+00 : f32
    %broadcast_in_dim3A_107 = vector.broadcast %jit3A_106 : f32 to vector<16x1024xf32>
    %select_n3A_108 = arith.select %or3A_97, %transpose3A, %broadcast_in_dim3A_107 : vector<16x1024xi1>, vector<16x1024xf32>
    %reduce_sum3A_109 = arith.constant dense<0.000000e+00> : vector<1024xf32>
    %reduce_sum3A_110 = vector.multi_reduction <add>, %select_n3A_108, %reduce_sum3A_109 [0] : vector<16x1024xf32> to vector<1024xf32>
    %broadcast_in_dim3A_111 = vector.shape_cast %reduce_sum3A_110 : vector<1024xf32> to vector<1x1024xf32>
    %add3A_112 = arith.addf %slice3A_88, %broadcast_in_dim3A_111 : vector<1x1024xf32>
    %mul3A_113 = arith.mulf %add3A_105, %slice3A_88 : vector<1x1024xf32>
    %add3A_114 = arith.constant 1.000000e+00 : f32
    %add3A_115 = vector.broadcast %add3A_114 : f32 to vector<1x1024xf32>
    %add3A_116 = arith.addf %add3A_115, %mul3A_113 : vector<1x1024xf32>
    %gt3A_117 = arith.cmpf ogt, %add3A_116, %add3A_112 : vector<1x1024xf32>
    %convert_element_type3A_118 = arith.extui %gt3A_117 : vector<1x1024xi1> to vector<1x1024xi32>
    %convert_element_type3A_119 = arith.sitofp %convert_element_type3A_118 : vector<1x1024xi32> to vector<1x1024xf32>
    %add3A_120 = arith.addf %add3A_83, %convert_element_type3A_119 : vector<1x1024xf32>
    %jit3A_121 = arith.constant 0.000000e+00 : f32
    %broadcast_in_dim3A_122 = vector.broadcast %jit3A_121 : f32 to vector<1x1024xf32>
    %select_n3A_123 = arith.select %gt3A_117, %slice3A_88, %broadcast_in_dim3A_122 : vector<1x1024xi1>, vector<1x1024xf32>
    %add3A_124 = arith.addf %add3A_87, %select_n3A_123 : vector<1x1024xf32>
    %slice3A_125 = vector.extract_strided_slice %transpose3A {offsets = [3, 0], sizes = [1, 1024], strides = [1, 1]} : vector<16x1024xf32> to vector<1x1024xf32>
    %gt3A_126 = vector.broadcast %slice3A_125 : vector<1x1024xf32> to vector<16x1024xf32>
    %gt3A_127 = arith.cmpf ogt, %transpose3A, %gt3A_126 : vector<16x1024xf32>
    %eq3A_128 = vector.broadcast %slice3A_125 : vector<1x1024xf32> to vector<16x1024xf32>
    %eq3A_129 = arith.cmpf oeq, %transpose3A, %eq3A_128 : vector<16x1024xf32>
    %lt3A_130 = arith.constant 3 : i32
    %lt3A_131 = vector.broadcast %lt3A_130 : i32 to vector<16x1024xi32>
    %lt3A_132 = arith.cmpi slt, %iota3A, %lt3A_131 : vector<16x1024xi32>
    %and3A_133 = arith.andi %eq3A_129, %lt3A_132 : vector<16x1024xi1>
    %or3A_134 = arith.ori %gt3A_127, %and3A_133 : vector<16x1024xi1>
    %convert_element_type3A_135 = arith.extui %or3A_134 : vector<16x1024xi1> to vector<16x1024xi32>
    %convert_element_type3A_136 = arith.sitofp %convert_element_type3A_135 : vector<16x1024xi32> to vector<16x1024xf32>
    %reduce_sum3A_137 = arith.constant dense<0.000000e+00> : vector<1024xf32>
    %reduce_sum3A_138 = vector.multi_reduction <add>, %convert_element_type3A_136, %reduce_sum3A_137 [0] : vector<16x1024xf32> to vector<1024xf32>
    %broadcast_in_dim3A_139 = vector.shape_cast %reduce_sum3A_138 : vector<1024xf32> to vector<1x1024xf32>
    %add3A_140 = arith.constant 1.000000e+00 : f32
    %add3A_141 = vector.broadcast %add3A_140 : f32 to vector<1x1024xf32>
    %add3A_142 = arith.addf %add3A_141, %broadcast_in_dim3A_139 : vector<1x1024xf32>
    %jit3A_143 = arith.constant 0.000000e+00 : f32
    %broadcast_in_dim3A_144 = vector.broadcast %jit3A_143 : f32 to vector<16x1024xf32>
    %select_n3A_145 = arith.select %or3A_134, %transpose3A, %broadcast_in_dim3A_144 : vector<16x1024xi1>, vector<16x1024xf32>
    %reduce_sum3A_146 = arith.constant dense<0.000000e+00> : vector<1024xf32>
    %reduce_sum3A_147 = vector.multi_reduction <add>, %select_n3A_145, %reduce_sum3A_146 [0] : vector<16x1024xf32> to vector<1024xf32>
    %broadcast_in_dim3A_148 = vector.shape_cast %reduce_sum3A_147 : vector<1024xf32> to vector<1x1024xf32>
    %add3A_149 = arith.addf %slice3A_125, %broadcast_in_dim3A_148 : vector<1x1024xf32>
    %mul3A_150 = arith.mulf %add3A_142, %slice3A_125 : vector<1x1024xf32>
    %add3A_151 = arith.constant 1.000000e+00 : f32
    %add3A_152 = vector.broadcast %add3A_151 : f32 to vector<1x1024xf32>
    %add3A_153 = arith.addf %add3A_152, %mul3A_150 : vector<1x1024xf32>
    %gt3A_154 = arith.cmpf ogt, %add3A_153, %add3A_149 : vector<1x1024xf32>
    %convert_element_type3A_155 = arith.extui %gt3A_154 : vector<1x1024xi1> to vector<1x1024xi32>
    %convert_element_type3A_156 = arith.sitofp %convert_element_type3A_155 : vector<1x1024xi32> to vector<1x1024xf32>
    %add3A_157 = arith.addf %add3A_120, %convert_element_type3A_156 : vector<1x1024xf32>
    %jit3A_158 = arith.constant 0.000000e+00 : f32
    %broadcast_in_dim3A_159 = vector.broadcast %jit3A_158 : f32 to vector<1x1024xf32>
    %select_n3A_160 = arith.select %gt3A_154, %slice3A_125, %broadcast_in_dim3A_159 : vector<1x1024xi1>, vector<1x1024xf32>
    %add3A_161 = arith.addf %add3A_124, %select_n3A_160 : vector<1x1024xf32>
    %slice3A_162 = vector.extract_strided_slice %transpose3A {offsets = [4, 0], sizes = [1, 1024], strides = [1, 1]} : vector<16x1024xf32> to vector<1x1024xf32>
    %gt3A_163 = vector.broadcast %slice3A_162 : vector<1x1024xf32> to vector<16x1024xf32>
    %gt3A_164 = arith.cmpf ogt, %transpose3A, %gt3A_163 : vector<16x1024xf32>
    %eq3A_165 = vector.broadcast %slice3A_162 : vector<1x1024xf32> to vector<16x1024xf32>
    %eq3A_166 = arith.cmpf oeq, %transpose3A, %eq3A_165 : vector<16x1024xf32>
    %lt3A_167 = arith.constant 4 : i32
    %lt3A_168 = vector.broadcast %lt3A_167 : i32 to vector<16x1024xi32>
    %lt3A_169 = arith.cmpi slt, %iota3A, %lt3A_168 : vector<16x1024xi32>
    %and3A_170 = arith.andi %eq3A_166, %lt3A_169 : vector<16x1024xi1>
    %or3A_171 = arith.ori %gt3A_164, %and3A_170 : vector<16x1024xi1>
    %convert_element_type3A_172 = arith.extui %or3A_171 : vector<16x1024xi1> to vector<16x1024xi32>
    %convert_element_type3A_173 = arith.sitofp %convert_element_type3A_172 : vector<16x1024xi32> to vector<16x1024xf32>
    %reduce_sum3A_174 = arith.constant dense<0.000000e+00> : vector<1024xf32>
    %reduce_sum3A_175 = vector.multi_reduction <add>, %convert_element_type3A_173, %reduce_sum3A_174 [0] : vector<16x1024xf32> to vector<1024xf32>
    %broadcast_in_dim3A_176 = vector.shape_cast %reduce_sum3A_175 : vector<1024xf32> to vector<1x1024xf32>
    %add3A_177 = arith.constant 1.000000e+00 : f32
    %add3A_178 = vector.broadcast %add3A_177 : f32 to vector<1x1024xf32>
    %add3A_179 = arith.addf %add3A_178, %broadcast_in_dim3A_176 : vector<1x1024xf32>
    %jit3A_180 = arith.constant 0.000000e+00 : f32
    %broadcast_in_dim3A_181 = vector.broadcast %jit3A_180 : f32 to vector<16x1024xf32>
    %select_n3A_182 = arith.select %or3A_171, %transpose3A, %broadcast_in_dim3A_181 : vector<16x1024xi1>, vector<16x1024xf32>
    %reduce_sum3A_183 = arith.constant dense<0.000000e+00> : vector<1024xf32>
    %reduce_sum3A_184 = vector.multi_reduction <add>, %select_n3A_182, %reduce_sum3A_183 [0] : vector<16x1024xf32> to vector<1024xf32>
    %broadcast_in_dim3A_185 = vector.shape_cast %reduce_sum3A_184 : vector<1024xf32> to vector<1x1024xf32>
    %add3A_186 = arith.addf %slice3A_162, %broadcast_in_dim3A_185 : vector<1x1024xf32>
    %mul3A_187 = arith.mulf %add3A_179, %slice3A_162 : vector<1x1024xf32>
    %add3A_188 = arith.constant 1.000000e+00 : f32
    %add3A_189 = vector.broadcast %add3A_188 : f32 to vector<1x1024xf32>
    %add3A_190 = arith.addf %add3A_189, %mul3A_187 : vector<1x1024xf32>
    %gt3A_191 = arith.cmpf ogt, %add3A_190, %add3A_186 : vector<1x1024xf32>
    %convert_element_type3A_192 = arith.extui %gt3A_191 : vector<1x1024xi1> to vector<1x1024xi32>
    %convert_element_type3A_193 = arith.sitofp %convert_element_type3A_192 : vector<1x1024xi32> to vector<1x1024xf32>
    %add3A_194 = arith.addf %add3A_157, %convert_element_type3A_193 : vector<1x1024xf32>
    %jit3A_195 = arith.constant 0.000000e+00 : f32
    %broadcast_in_dim3A_196 = vector.broadcast %jit3A_195 : f32 to vector<1x1024xf32>
    %select_n3A_197 = arith.select %gt3A_191, %slice3A_162, %broadcast_in_dim3A_196 : vector<1x1024xi1>, vector<1x1024xf32>
    %add3A_198 = arith.addf %add3A_161, %select_n3A_197 : vector<1x1024xf32>
    %slice3A_199 = vector.extract_strided_slice %transpose3A {offsets = [5, 0], sizes = [1, 1024], strides = [1, 1]} : vector<16x1024xf32> to vector<1x1024xf32>
    %gt3A_200 = vector.broadcast %slice3A_199 : vector<1x1024xf32> to vector<16x1024xf32>
    %gt3A_201 = arith.cmpf ogt, %transpose3A, %gt3A_200 : vector<16x1024xf32>
    %eq3A_202 = vector.broadcast %slice3A_199 : vector<1x1024xf32> to vector<16x1024xf32>
    %eq3A_203 = arith.cmpf oeq, %transpose3A, %eq3A_202 : vector<16x1024xf32>
    %lt3A_204 = arith.constant 5 : i32
    %lt3A_205 = vector.broadcast %lt3A_204 : i32 to vector<16x1024xi32>
    %lt3A_206 = arith.cmpi slt, %iota3A, %lt3A_205 : vector<16x1024xi32>
    %and3A_207 = arith.andi %eq3A_203, %lt3A_206 : vector<16x1024xi1>
    %or3A_208 = arith.ori %gt3A_201, %and3A_207 : vector<16x1024xi1>
    %convert_element_type3A_209 = arith.extui %or3A_208 : vector<16x1024xi1> to vector<16x1024xi32>
    %convert_element_type3A_210 = arith.sitofp %convert_element_type3A_209 : vector<16x1024xi32> to vector<16x1024xf32>
    %reduce_sum3A_211 = arith.constant dense<0.000000e+00> : vector<1024xf32>
    %reduce_sum3A_212 = vector.multi_reduction <add>, %convert_element_type3A_210, %reduce_sum3A_211 [0] : vector<16x1024xf32> to vector<1024xf32>
    %broadcast_in_dim3A_213 = vector.shape_cast %reduce_sum3A_212 : vector<1024xf32> to vector<1x1024xf32>
    %add3A_214 = arith.constant 1.000000e+00 : f32
    %add3A_215 = vector.broadcast %add3A_214 : f32 to vector<1x1024xf32>
    %add3A_216 = arith.addf %add3A_215, %broadcast_in_dim3A_213 : vector<1x1024xf32>
    %jit3A_217 = arith.constant 0.000000e+00 : f32
    %broadcast_in_dim3A_218 = vector.broadcast %jit3A_217 : f32 to vector<16x1024xf32>
    %select_n3A_219 = arith.select %or3A_208, %transpose3A, %broadcast_in_dim3A_218 : vector<16x1024xi1>, vector<16x1024xf32>
    %reduce_sum3A_220 = arith.constant dense<0.000000e+00> : vector<1024xf32>
    %reduce_sum3A_221 = vector.multi_reduction <add>, %select_n3A_219, %reduce_sum3A_220 [0] : vector<16x1024xf32> to vector<1024xf32>
    %broadcast_in_dim3A_222 = vector.shape_cast %reduce_sum3A_221 : vector<1024xf32> to vector<1x1024xf32>
    %add3A_223 = arith.addf %slice3A_199, %broadcast_in_dim3A_222 : vector<1x1024xf32>
    %mul3A_224 = arith.mulf %add3A_216, %slice3A_199 : vector<1x1024xf32>
    %add3A_225 = arith.constant 1.000000e+00 : f32
    %add3A_226 = vector.broadcast %add3A_225 : f32 to vector<1x1024xf32>
    %add3A_227 = arith.addf %add3A_226, %mul3A_224 : vector<1x1024xf32>
    %gt3A_228 = arith.cmpf ogt, %add3A_227, %add3A_223 : vector<1x1024xf32>
    %convert_element_type3A_229 = arith.extui %gt3A_228 : vector<1x1024xi1> to vector<1x1024xi32>
    %convert_element_type3A_230 = arith.sitofp %convert_element_type3A_229 : vector<1x1024xi32> to vector<1x1024xf32>
    %add3A_231 = arith.addf %add3A_194, %convert_element_type3A_230 : vector<1x1024xf32>
    %jit3A_232 = arith.constant 0.000000e+00 : f32
    %broadcast_in_dim3A_233 = vector.broadcast %jit3A_232 : f32 to vector<1x1024xf32>
    %select_n3A_234 = arith.select %gt3A_228, %slice3A_199, %broadcast_in_dim3A_233 : vector<1x1024xi1>, vector<1x1024xf32>
    %add3A_235 = arith.addf %add3A_198, %select_n3A_234 : vector<1x1024xf32>
    %slice3A_236 = vector.extract_strided_slice %transpose3A {offsets = [6, 0], sizes = [1, 1024], strides = [1, 1]} : vector<16x1024xf32> to vector<1x1024xf32>
    %gt3A_237 = vector.broadcast %slice3A_236 : vector<1x1024xf32> to vector<16x1024xf32>
    %gt3A_238 = arith.cmpf ogt, %transpose3A, %gt3A_237 : vector<16x1024xf32>
    %eq3A_239 = vector.broadcast %slice3A_236 : vector<1x1024xf32> to vector<16x1024xf32>
    %eq3A_240 = arith.cmpf oeq, %transpose3A, %eq3A_239 : vector<16x1024xf32>
    %lt3A_241 = arith.constant 6 : i32
    %lt3A_242 = vector.broadcast %lt3A_241 : i32 to vector<16x1024xi32>
    %lt3A_243 = arith.cmpi slt, %iota3A, %lt3A_242 : vector<16x1024xi32>
    %and3A_244 = arith.andi %eq3A_240, %lt3A_243 : vector<16x1024xi1>
    %or3A_245 = arith.ori %gt3A_238, %and3A_244 : vector<16x1024xi1>
    %convert_element_type3A_246 = arith.extui %or3A_245 : vector<16x1024xi1> to vector<16x1024xi32>
    %convert_element_type3A_247 = arith.sitofp %convert_element_type3A_246 : vector<16x1024xi32> to vector<16x1024xf32>
    %reduce_sum3A_248 = arith.constant dense<0.000000e+00> : vector<1024xf32>
    %reduce_sum3A_249 = vector.multi_reduction <add>, %convert_element_type3A_247, %reduce_sum3A_248 [0] : vector<16x1024xf32> to vector<1024xf32>
    %broadcast_in_dim3A_250 = vector.shape_cast %reduce_sum3A_249 : vector<1024xf32> to vector<1x1024xf32>
    %add3A_251 = arith.constant 1.000000e+00 : f32
    %add3A_252 = vector.broadcast %add3A_251 : f32 to vector<1x1024xf32>
    %add3A_253 = arith.addf %add3A_252, %broadcast_in_dim3A_250 : vector<1x1024xf32>
    %jit3A_254 = arith.constant 0.000000e+00 : f32
    %broadcast_in_dim3A_255 = vector.broadcast %jit3A_254 : f32 to vector<16x1024xf32>
    %select_n3A_256 = arith.select %or3A_245, %transpose3A, %broadcast_in_dim3A_255 : vector<16x1024xi1>, vector<16x1024xf32>
    %reduce_sum3A_257 = arith.constant dense<0.000000e+00> : vector<1024xf32>
    %reduce_sum3A_258 = vector.multi_reduction <add>, %select_n3A_256, %reduce_sum3A_257 [0] : vector<16x1024xf32> to vector<1024xf32>
    %broadcast_in_dim3A_259 = vector.shape_cast %reduce_sum3A_258 : vector<1024xf32> to vector<1x1024xf32>
    %add3A_260 = arith.addf %slice3A_236, %broadcast_in_dim3A_259 : vector<1x1024xf32>
    %mul3A_261 = arith.mulf %add3A_253, %slice3A_236 : vector<1x1024xf32>
    %add3A_262 = arith.constant 1.000000e+00 : f32
    %add3A_263 = vector.broadcast %add3A_262 : f32 to vector<1x1024xf32>
    %add3A_264 = arith.addf %add3A_263, %mul3A_261 : vector<1x1024xf32>
    %gt3A_265 = arith.cmpf ogt, %add3A_264, %add3A_260 : vector<1x1024xf32>
    %convert_element_type3A_266 = arith.extui %gt3A_265 : vector<1x1024xi1> to vector<1x1024xi32>
    %convert_element_type3A_267 = arith.sitofp %convert_element_type3A_266 : vector<1x1024xi32> to vector<1x1024xf32>
    %add3A_268 = arith.addf %add3A_231, %convert_element_type3A_267 : vector<1x1024xf32>
    %jit3A_269 = arith.constant 0.000000e+00 : f32
    %broadcast_in_dim3A_270 = vector.broadcast %jit3A_269 : f32 to vector<1x1024xf32>
    %select_n3A_271 = arith.select %gt3A_265, %slice3A_236, %broadcast_in_dim3A_270 : vector<1x1024xi1>, vector<1x1024xf32>
    %add3A_272 = arith.addf %add3A_235, %select_n3A_271 : vector<1x1024xf32>
    %slice3A_273 = vector.extract_strided_slice %transpose3A {offsets = [7, 0], sizes = [1, 1024], strides = [1, 1]} : vector<16x1024xf32> to vector<1x1024xf32>
    %gt3A_274 = vector.broadcast %slice3A_273 : vector<1x1024xf32> to vector<16x1024xf32>
    %gt3A_275 = arith.cmpf ogt, %transpose3A, %gt3A_274 : vector<16x1024xf32>
    %eq3A_276 = vector.broadcast %slice3A_273 : vector<1x1024xf32> to vector<16x1024xf32>
    %eq3A_277 = arith.cmpf oeq, %transpose3A, %eq3A_276 : vector<16x1024xf32>
    %lt3A_278 = arith.constant 7 : i32
    %lt3A_279 = vector.broadcast %lt3A_278 : i32 to vector<16x1024xi32>
    %lt3A_280 = arith.cmpi slt, %iota3A, %lt3A_279 : vector<16x1024xi32>
    %and3A_281 = arith.andi %eq3A_277, %lt3A_280 : vector<16x1024xi1>
    %or3A_282 = arith.ori %gt3A_275, %and3A_281 : vector<16x1024xi1>
    %convert_element_type3A_283 = arith.extui %or3A_282 : vector<16x1024xi1> to vector<16x1024xi32>
    %convert_element_type3A_284 = arith.sitofp %convert_element_type3A_283 : vector<16x1024xi32> to vector<16x1024xf32>
    %reduce_sum3A_285 = arith.constant dense<0.000000e+00> : vector<1024xf32>
    %reduce_sum3A_286 = vector.multi_reduction <add>, %convert_element_type3A_284, %reduce_sum3A_285 [0] : vector<16x1024xf32> to vector<1024xf32>
    %broadcast_in_dim3A_287 = vector.shape_cast %reduce_sum3A_286 : vector<1024xf32> to vector<1x1024xf32>
    %add3A_288 = arith.constant 1.000000e+00 : f32
    %add3A_289 = vector.broadcast %add3A_288 : f32 to vector<1x1024xf32>
    %add3A_290 = arith.addf %add3A_289, %broadcast_in_dim3A_287 : vector<1x1024xf32>
    %jit3A_291 = arith.constant 0.000000e+00 : f32
    %broadcast_in_dim3A_292 = vector.broadcast %jit3A_291 : f32 to vector<16x1024xf32>
    %select_n3A_293 = arith.select %or3A_282, %transpose3A, %broadcast_in_dim3A_292 : vector<16x1024xi1>, vector<16x1024xf32>
    %reduce_sum3A_294 = arith.constant dense<0.000000e+00> : vector<1024xf32>
    %reduce_sum3A_295 = vector.multi_reduction <add>, %select_n3A_293, %reduce_sum3A_294 [0] : vector<16x1024xf32> to vector<1024xf32>
    %broadcast_in_dim3A_296 = vector.shape_cast %reduce_sum3A_295 : vector<1024xf32> to vector<1x1024xf32>
    %add3A_297 = arith.addf %slice3A_273, %broadcast_in_dim3A_296 : vector<1x1024xf32>
    %mul3A_298 = arith.mulf %add3A_290, %slice3A_273 : vector<1x1024xf32>
    %add3A_299 = arith.constant 1.000000e+00 : f32
    %add3A_300 = vector.broadcast %add3A_299 : f32 to vector<1x1024xf32>
    %add3A_301 = arith.addf %add3A_300, %mul3A_298 : vector<1x1024xf32>
    %gt3A_302 = arith.cmpf ogt, %add3A_301, %add3A_297 : vector<1x1024xf32>
    %convert_element_type3A_303 = arith.extui %gt3A_302 : vector<1x1024xi1> to vector<1x1024xi32>
    %convert_element_type3A_304 = arith.sitofp %convert_element_type3A_303 : vector<1x1024xi32> to vector<1x1024xf32>
    %add3A_305 = arith.addf %add3A_268, %convert_element_type3A_304 : vector<1x1024xf32>
    %jit3A_306 = arith.constant 0.000000e+00 : f32
    %broadcast_in_dim3A_307 = vector.broadcast %jit3A_306 : f32 to vector<1x1024xf32>
    %select_n3A_308 = arith.select %gt3A_302, %slice3A_273, %broadcast_in_dim3A_307 : vector<1x1024xi1>, vector<1x1024xf32>
    %add3A_309 = arith.addf %add3A_272, %select_n3A_308 : vector<1x1024xf32>
    %slice3A_310 = vector.extract_strided_slice %transpose3A {offsets = [8, 0], sizes = [1, 1024], strides = [1, 1]} : vector<16x1024xf32> to vector<1x1024xf32>
    %gt3A_311 = vector.broadcast %slice3A_310 : vector<1x1024xf32> to vector<16x1024xf32>
    %gt3A_312 = arith.cmpf ogt, %transpose3A, %gt3A_311 : vector<16x1024xf32>
    %eq3A_313 = vector.broadcast %slice3A_310 : vector<1x1024xf32> to vector<16x1024xf32>
    %eq3A_314 = arith.cmpf oeq, %transpose3A, %eq3A_313 : vector<16x1024xf32>
    %lt3A_315 = arith.constant 8 : i32
    %lt3A_316 = vector.broadcast %lt3A_315 : i32 to vector<16x1024xi32>
    %lt3A_317 = arith.cmpi slt, %iota3A, %lt3A_316 : vector<16x1024xi32>
    %and3A_318 = arith.andi %eq3A_314, %lt3A_317 : vector<16x1024xi1>
    %or3A_319 = arith.ori %gt3A_312, %and3A_318 : vector<16x1024xi1>
    %convert_element_type3A_320 = arith.extui %or3A_319 : vector<16x1024xi1> to vector<16x1024xi32>
    %convert_element_type3A_321 = arith.sitofp %convert_element_type3A_320 : vector<16x1024xi32> to vector<16x1024xf32>
    %reduce_sum3A_322 = arith.constant dense<0.000000e+00> : vector<1024xf32>
    %reduce_sum3A_323 = vector.multi_reduction <add>, %convert_element_type3A_321, %reduce_sum3A_322 [0] : vector<16x1024xf32> to vector<1024xf32>
    %broadcast_in_dim3A_324 = vector.shape_cast %reduce_sum3A_323 : vector<1024xf32> to vector<1x1024xf32>
    %add3A_325 = arith.constant 1.000000e+00 : f32
    %add3A_326 = vector.broadcast %add3A_325 : f32 to vector<1x1024xf32>
    %add3A_327 = arith.addf %add3A_326, %broadcast_in_dim3A_324 : vector<1x1024xf32>
    %jit3A_328 = arith.constant 0.000000e+00 : f32
    %broadcast_in_dim3A_329 = vector.broadcast %jit3A_328 : f32 to vector<16x1024xf32>
    %select_n3A_330 = arith.select %or3A_319, %transpose3A, %broadcast_in_dim3A_329 : vector<16x1024xi1>, vector<16x1024xf32>
    %reduce_sum3A_331 = arith.constant dense<0.000000e+00> : vector<1024xf32>
    %reduce_sum3A_332 = vector.multi_reduction <add>, %select_n3A_330, %reduce_sum3A_331 [0] : vector<16x1024xf32> to vector<1024xf32>
    %broadcast_in_dim3A_333 = vector.shape_cast %reduce_sum3A_332 : vector<1024xf32> to vector<1x1024xf32>
    %add3A_334 = arith.addf %slice3A_310, %broadcast_in_dim3A_333 : vector<1x1024xf32>
    %mul3A_335 = arith.mulf %add3A_327, %slice3A_310 : vector<1x1024xf32>
    %add3A_336 = arith.constant 1.000000e+00 : f32
    %add3A_337 = vector.broadcast %add3A_336 : f32 to vector<1x1024xf32>
    %add3A_338 = arith.addf %add3A_337, %mul3A_335 : vector<1x1024xf32>
    %gt3A_339 = arith.cmpf ogt, %add3A_338, %add3A_334 : vector<1x1024xf32>
    %convert_element_type3A_340 = arith.extui %gt3A_339 : vector<1x1024xi1> to vector<1x1024xi32>
    %convert_element_type3A_341 = arith.sitofp %convert_element_type3A_340 : vector<1x1024xi32> to vector<1x1024xf32>
    %add3A_342 = arith.addf %add3A_305, %convert_element_type3A_341 : vector<1x1024xf32>
    %jit3A_343 = arith.constant 0.000000e+00 : f32
    %broadcast_in_dim3A_344 = vector.broadcast %jit3A_343 : f32 to vector<1x1024xf32>
    %select_n3A_345 = arith.select %gt3A_339, %slice3A_310, %broadcast_in_dim3A_344 : vector<1x1024xi1>, vector<1x1024xf32>
    %add3A_346 = arith.addf %add3A_309, %select_n3A_345 : vector<1x1024xf32>
    %slice3A_347 = vector.extract_strided_slice %transpose3A {offsets = [9, 0], sizes = [1, 1024], strides = [1, 1]} : vector<16x1024xf32> to vector<1x1024xf32>
    %gt3A_348 = vector.broadcast %slice3A_347 : vector<1x1024xf32> to vector<16x1024xf32>
    %gt3A_349 = arith.cmpf ogt, %transpose3A, %gt3A_348 : vector<16x1024xf32>
    %eq3A_350 = vector.broadcast %slice3A_347 : vector<1x1024xf32> to vector<16x1024xf32>
    %eq3A_351 = arith.cmpf oeq, %transpose3A, %eq3A_350 : vector<16x1024xf32>
    %lt3A_352 = arith.constant 9 : i32
    %lt3A_353 = vector.broadcast %lt3A_352 : i32 to vector<16x1024xi32>
    %lt3A_354 = arith.cmpi slt, %iota3A, %lt3A_353 : vector<16x1024xi32>
    %and3A_355 = arith.andi %eq3A_351, %lt3A_354 : vector<16x1024xi1>
    %or3A_356 = arith.ori %gt3A_349, %and3A_355 : vector<16x1024xi1>
    %convert_element_type3A_357 = arith.extui %or3A_356 : vector<16x1024xi1> to vector<16x1024xi32>
    %convert_element_type3A_358 = arith.sitofp %convert_element_type3A_357 : vector<16x1024xi32> to vector<16x1024xf32>
    %reduce_sum3A_359 = arith.constant dense<0.000000e+00> : vector<1024xf32>
    %reduce_sum3A_360 = vector.multi_reduction <add>, %convert_element_type3A_358, %reduce_sum3A_359 [0] : vector<16x1024xf32> to vector<1024xf32>
    %broadcast_in_dim3A_361 = vector.shape_cast %reduce_sum3A_360 : vector<1024xf32> to vector<1x1024xf32>
    %add3A_362 = arith.constant 1.000000e+00 : f32
    %add3A_363 = vector.broadcast %add3A_362 : f32 to vector<1x1024xf32>
    %add3A_364 = arith.addf %add3A_363, %broadcast_in_dim3A_361 : vector<1x1024xf32>
    %jit3A_365 = arith.constant 0.000000e+00 : f32
    %broadcast_in_dim3A_366 = vector.broadcast %jit3A_365 : f32 to vector<16x1024xf32>
    %select_n3A_367 = arith.select %or3A_356, %transpose3A, %broadcast_in_dim3A_366 : vector<16x1024xi1>, vector<16x1024xf32>
    %reduce_sum3A_368 = arith.constant dense<0.000000e+00> : vector<1024xf32>
    %reduce_sum3A_369 = vector.multi_reduction <add>, %select_n3A_367, %reduce_sum3A_368 [0] : vector<16x1024xf32> to vector<1024xf32>
    %broadcast_in_dim3A_370 = vector.shape_cast %reduce_sum3A_369 : vector<1024xf32> to vector<1x1024xf32>
    %add3A_371 = arith.addf %slice3A_347, %broadcast_in_dim3A_370 : vector<1x1024xf32>
    %mul3A_372 = arith.mulf %add3A_364, %slice3A_347 : vector<1x1024xf32>
    %add3A_373 = arith.constant 1.000000e+00 : f32
    %add3A_374 = vector.broadcast %add3A_373 : f32 to vector<1x1024xf32>
    %add3A_375 = arith.addf %add3A_374, %mul3A_372 : vector<1x1024xf32>
    %gt3A_376 = arith.cmpf ogt, %add3A_375, %add3A_371 : vector<1x1024xf32>
    %convert_element_type3A_377 = arith.extui %gt3A_376 : vector<1x1024xi1> to vector<1x1024xi32>
    %convert_element_type3A_378 = arith.sitofp %convert_element_type3A_377 : vector<1x1024xi32> to vector<1x1024xf32>
    %add3A_379 = arith.addf %add3A_342, %convert_element_type3A_378 : vector<1x1024xf32>
    %jit3A_380 = arith.constant 0.000000e+00 : f32
    %broadcast_in_dim3A_381 = vector.broadcast %jit3A_380 : f32 to vector<1x1024xf32>
    %select_n3A_382 = arith.select %gt3A_376, %slice3A_347, %broadcast_in_dim3A_381 : vector<1x1024xi1>, vector<1x1024xf32>
    %add3A_383 = arith.addf %add3A_346, %select_n3A_382 : vector<1x1024xf32>
    %slice3A_384 = vector.extract_strided_slice %transpose3A {offsets = [10, 0], sizes = [1, 1024], strides = [1, 1]} : vector<16x1024xf32> to vector<1x1024xf32>
    %gt3A_385 = vector.broadcast %slice3A_384 : vector<1x1024xf32> to vector<16x1024xf32>
    %gt3A_386 = arith.cmpf ogt, %transpose3A, %gt3A_385 : vector<16x1024xf32>
    %eq3A_387 = vector.broadcast %slice3A_384 : vector<1x1024xf32> to vector<16x1024xf32>
    %eq3A_388 = arith.cmpf oeq, %transpose3A, %eq3A_387 : vector<16x1024xf32>
    %lt3A_389 = arith.constant 10 : i32
    %lt3A_390 = vector.broadcast %lt3A_389 : i32 to vector<16x1024xi32>
    %lt3A_391 = arith.cmpi slt, %iota3A, %lt3A_390 : vector<16x1024xi32>
    %and3A_392 = arith.andi %eq3A_388, %lt3A_391 : vector<16x1024xi1>
    %or3A_393 = arith.ori %gt3A_386, %and3A_392 : vector<16x1024xi1>
    %convert_element_type3A_394 = arith.extui %or3A_393 : vector<16x1024xi1> to vector<16x1024xi32>
    %convert_element_type3A_395 = arith.sitofp %convert_element_type3A_394 : vector<16x1024xi32> to vector<16x1024xf32>
    %reduce_sum3A_396 = arith.constant dense<0.000000e+00> : vector<1024xf32>
    %reduce_sum3A_397 = vector.multi_reduction <add>, %convert_element_type3A_395, %reduce_sum3A_396 [0] : vector<16x1024xf32> to vector<1024xf32>
    %broadcast_in_dim3A_398 = vector.shape_cast %reduce_sum3A_397 : vector<1024xf32> to vector<1x1024xf32>
    %add3A_399 = arith.constant 1.000000e+00 : f32
    %add3A_400 = vector.broadcast %add3A_399 : f32 to vector<1x1024xf32>
    %add3A_401 = arith.addf %add3A_400, %broadcast_in_dim3A_398 : vector<1x1024xf32>
    %jit3A_402 = arith.constant 0.000000e+00 : f32
    %broadcast_in_dim3A_403 = vector.broadcast %jit3A_402 : f32 to vector<16x1024xf32>
    %select_n3A_404 = arith.select %or3A_393, %transpose3A, %broadcast_in_dim3A_403 : vector<16x1024xi1>, vector<16x1024xf32>
    %reduce_sum3A_405 = arith.constant dense<0.000000e+00> : vector<1024xf32>
    %reduce_sum3A_406 = vector.multi_reduction <add>, %select_n3A_404, %reduce_sum3A_405 [0] : vector<16x1024xf32> to vector<1024xf32>
    %broadcast_in_dim3A_407 = vector.shape_cast %reduce_sum3A_406 : vector<1024xf32> to vector<1x1024xf32>
    %add3A_408 = arith.addf %slice3A_384, %broadcast_in_dim3A_407 : vector<1x1024xf32>
    %mul3A_409 = arith.mulf %add3A_401, %slice3A_384 : vector<1x1024xf32>
    %add3A_410 = arith.constant 1.000000e+00 : f32
    %add3A_411 = vector.broadcast %add3A_410 : f32 to vector<1x1024xf32>
    %add3A_412 = arith.addf %add3A_411, %mul3A_409 : vector<1x1024xf32>
    %gt3A_413 = arith.cmpf ogt, %add3A_412, %add3A_408 : vector<1x1024xf32>
    %convert_element_type3A_414 = arith.extui %gt3A_413 : vector<1x1024xi1> to vector<1x1024xi32>
    %convert_element_type3A_415 = arith.sitofp %convert_element_type3A_414 : vector<1x1024xi32> to vector<1x1024xf32>
    %add3A_416 = arith.addf %add3A_379, %convert_element_type3A_415 : vector<1x1024xf32>
    %jit3A_417 = arith.constant 0.000000e+00 : f32
    %broadcast_in_dim3A_418 = vector.broadcast %jit3A_417 : f32 to vector<1x1024xf32>
    %select_n3A_419 = arith.select %gt3A_413, %slice3A_384, %broadcast_in_dim3A_418 : vector<1x1024xi1>, vector<1x1024xf32>
    %add3A_420 = arith.addf %add3A_383, %select_n3A_419 : vector<1x1024xf32>
    %slice3A_421 = vector.extract_strided_slice %transpose3A {offsets = [11, 0], sizes = [1, 1024], strides = [1, 1]} : vector<16x1024xf32> to vector<1x1024xf32>
    %gt3A_422 = vector.broadcast %slice3A_421 : vector<1x1024xf32> to vector<16x1024xf32>
    %gt3A_423 = arith.cmpf ogt, %transpose3A, %gt3A_422 : vector<16x1024xf32>
    %eq3A_424 = vector.broadcast %slice3A_421 : vector<1x1024xf32> to vector<16x1024xf32>
    %eq3A_425 = arith.cmpf oeq, %transpose3A, %eq3A_424 : vector<16x1024xf32>
    %lt3A_426 = arith.constant 11 : i32
    %lt3A_427 = vector.broadcast %lt3A_426 : i32 to vector<16x1024xi32>
    %lt3A_428 = arith.cmpi slt, %iota3A, %lt3A_427 : vector<16x1024xi32>
    %and3A_429 = arith.andi %eq3A_425, %lt3A_428 : vector<16x1024xi1>
    %or3A_430 = arith.ori %gt3A_423, %and3A_429 : vector<16x1024xi1>
    %convert_element_type3A_431 = arith.extui %or3A_430 : vector<16x1024xi1> to vector<16x1024xi32>
    %convert_element_type3A_432 = arith.sitofp %convert_element_type3A_431 : vector<16x1024xi32> to vector<16x1024xf32>
    %reduce_sum3A_433 = arith.constant dense<0.000000e+00> : vector<1024xf32>
    %reduce_sum3A_434 = vector.multi_reduction <add>, %convert_element_type3A_432, %reduce_sum3A_433 [0] : vector<16x1024xf32> to vector<1024xf32>
    %broadcast_in_dim3A_435 = vector.shape_cast %reduce_sum3A_434 : vector<1024xf32> to vector<1x1024xf32>
    %add3A_436 = arith.constant 1.000000e+00 : f32
    %add3A_437 = vector.broadcast %add3A_436 : f32 to vector<1x1024xf32>
    %add3A_438 = arith.addf %add3A_437, %broadcast_in_dim3A_435 : vector<1x1024xf32>
    %jit3A_439 = arith.constant 0.000000e+00 : f32
    %broadcast_in_dim3A_440 = vector.broadcast %jit3A_439 : f32 to vector<16x1024xf32>
    %select_n3A_441 = arith.select %or3A_430, %transpose3A, %broadcast_in_dim3A_440 : vector<16x1024xi1>, vector<16x1024xf32>
    %reduce_sum3A_442 = arith.constant dense<0.000000e+00> : vector<1024xf32>
    %reduce_sum3A_443 = vector.multi_reduction <add>, %select_n3A_441, %reduce_sum3A_442 [0] : vector<16x1024xf32> to vector<1024xf32>
    %broadcast_in_dim3A_444 = vector.shape_cast %reduce_sum3A_443 : vector<1024xf32> to vector<1x1024xf32>
    %add3A_445 = arith.addf %slice3A_421, %broadcast_in_dim3A_444 : vector<1x1024xf32>
    %mul3A_446 = arith.mulf %add3A_438, %slice3A_421 : vector<1x1024xf32>
    %add3A_447 = arith.constant 1.000000e+00 : f32
    %add3A_448 = vector.broadcast %add3A_447 : f32 to vector<1x1024xf32>
    %add3A_449 = arith.addf %add3A_448, %mul3A_446 : vector<1x1024xf32>
    %gt3A_450 = arith.cmpf ogt, %add3A_449, %add3A_445 : vector<1x1024xf32>
    %convert_element_type3A_451 = arith.extui %gt3A_450 : vector<1x1024xi1> to vector<1x1024xi32>
    %convert_element_type3A_452 = arith.sitofp %convert_element_type3A_451 : vector<1x1024xi32> to vector<1x1024xf32>
    %add3A_453 = arith.addf %add3A_416, %convert_element_type3A_452 : vector<1x1024xf32>
    %jit3A_454 = arith.constant 0.000000e+00 : f32
    %broadcast_in_dim3A_455 = vector.broadcast %jit3A_454 : f32 to vector<1x1024xf32>
    %select_n3A_456 = arith.select %gt3A_450, %slice3A_421, %broadcast_in_dim3A_455 : vector<1x1024xi1>, vector<1x1024xf32>
    %add3A_457 = arith.addf %add3A_420, %select_n3A_456 : vector<1x1024xf32>
    %slice3A_458 = vector.extract_strided_slice %transpose3A {offsets = [12, 0], sizes = [1, 1024], strides = [1, 1]} : vector<16x1024xf32> to vector<1x1024xf32>
    %gt3A_459 = vector.broadcast %slice3A_458 : vector<1x1024xf32> to vector<16x1024xf32>
    %gt3A_460 = arith.cmpf ogt, %transpose3A, %gt3A_459 : vector<16x1024xf32>
    %eq3A_461 = vector.broadcast %slice3A_458 : vector<1x1024xf32> to vector<16x1024xf32>
    %eq3A_462 = arith.cmpf oeq, %transpose3A, %eq3A_461 : vector<16x1024xf32>
    %lt3A_463 = arith.constant 12 : i32
    %lt3A_464 = vector.broadcast %lt3A_463 : i32 to vector<16x1024xi32>
    %lt3A_465 = arith.cmpi slt, %iota3A, %lt3A_464 : vector<16x1024xi32>
    %and3A_466 = arith.andi %eq3A_462, %lt3A_465 : vector<16x1024xi1>
    %or3A_467 = arith.ori %gt3A_460, %and3A_466 : vector<16x1024xi1>
    %convert_element_type3A_468 = arith.extui %or3A_467 : vector<16x1024xi1> to vector<16x1024xi32>
    %convert_element_type3A_469 = arith.sitofp %convert_element_type3A_468 : vector<16x1024xi32> to vector<16x1024xf32>
    %reduce_sum3A_470 = arith.constant dense<0.000000e+00> : vector<1024xf32>
    %reduce_sum3A_471 = vector.multi_reduction <add>, %convert_element_type3A_469, %reduce_sum3A_470 [0] : vector<16x1024xf32> to vector<1024xf32>
    %broadcast_in_dim3A_472 = vector.shape_cast %reduce_sum3A_471 : vector<1024xf32> to vector<1x1024xf32>
    %add3A_473 = arith.constant 1.000000e+00 : f32
    %add3A_474 = vector.broadcast %add3A_473 : f32 to vector<1x1024xf32>
    %add3A_475 = arith.addf %add3A_474, %broadcast_in_dim3A_472 : vector<1x1024xf32>
    %jit3A_476 = arith.constant 0.000000e+00 : f32
    %broadcast_in_dim3A_477 = vector.broadcast %jit3A_476 : f32 to vector<16x1024xf32>
    %select_n3A_478 = arith.select %or3A_467, %transpose3A, %broadcast_in_dim3A_477 : vector<16x1024xi1>, vector<16x1024xf32>
    %reduce_sum3A_479 = arith.constant dense<0.000000e+00> : vector<1024xf32>
    %reduce_sum3A_480 = vector.multi_reduction <add>, %select_n3A_478, %reduce_sum3A_479 [0] : vector<16x1024xf32> to vector<1024xf32>
    %broadcast_in_dim3A_481 = vector.shape_cast %reduce_sum3A_480 : vector<1024xf32> to vector<1x1024xf32>
    %add3A_482 = arith.addf %slice3A_458, %broadcast_in_dim3A_481 : vector<1x1024xf32>
    %mul3A_483 = arith.mulf %add3A_475, %slice3A_458 : vector<1x1024xf32>
    %add3A_484 = arith.constant 1.000000e+00 : f32
    %add3A_485 = vector.broadcast %add3A_484 : f32 to vector<1x1024xf32>
    %add3A_486 = arith.addf %add3A_485, %mul3A_483 : vector<1x1024xf32>
    %gt3A_487 = arith.cmpf ogt, %add3A_486, %add3A_482 : vector<1x1024xf32>
    %convert_element_type3A_488 = arith.extui %gt3A_487 : vector<1x1024xi1> to vector<1x1024xi32>
    %convert_element_type3A_489 = arith.sitofp %convert_element_type3A_488 : vector<1x1024xi32> to vector<1x1024xf32>
    %add3A_490 = arith.addf %add3A_453, %convert_element_type3A_489 : vector<1x1024xf32>
    %jit3A_491 = arith.constant 0.000000e+00 : f32
    %broadcast_in_dim3A_492 = vector.broadcast %jit3A_491 : f32 to vector<1x1024xf32>
    %select_n3A_493 = arith.select %gt3A_487, %slice3A_458, %broadcast_in_dim3A_492 : vector<1x1024xi1>, vector<1x1024xf32>
    %add3A_494 = arith.addf %add3A_457, %select_n3A_493 : vector<1x1024xf32>
    %slice3A_495 = vector.extract_strided_slice %transpose3A {offsets = [13, 0], sizes = [1, 1024], strides = [1, 1]} : vector<16x1024xf32> to vector<1x1024xf32>
    %gt3A_496 = vector.broadcast %slice3A_495 : vector<1x1024xf32> to vector<16x1024xf32>
    %gt3A_497 = arith.cmpf ogt, %transpose3A, %gt3A_496 : vector<16x1024xf32>
    %eq3A_498 = vector.broadcast %slice3A_495 : vector<1x1024xf32> to vector<16x1024xf32>
    %eq3A_499 = arith.cmpf oeq, %transpose3A, %eq3A_498 : vector<16x1024xf32>
    %lt3A_500 = arith.constant 13 : i32
    %lt3A_501 = vector.broadcast %lt3A_500 : i32 to vector<16x1024xi32>
    %lt3A_502 = arith.cmpi slt, %iota3A, %lt3A_501 : vector<16x1024xi32>
    %and3A_503 = arith.andi %eq3A_499, %lt3A_502 : vector<16x1024xi1>
    %or3A_504 = arith.ori %gt3A_497, %and3A_503 : vector<16x1024xi1>
    %convert_element_type3A_505 = arith.extui %or3A_504 : vector<16x1024xi1> to vector<16x1024xi32>
    %convert_element_type3A_506 = arith.sitofp %convert_element_type3A_505 : vector<16x1024xi32> to vector<16x1024xf32>
    %reduce_sum3A_507 = arith.constant dense<0.000000e+00> : vector<1024xf32>
    %reduce_sum3A_508 = vector.multi_reduction <add>, %convert_element_type3A_506, %reduce_sum3A_507 [0] : vector<16x1024xf32> to vector<1024xf32>
    %broadcast_in_dim3A_509 = vector.shape_cast %reduce_sum3A_508 : vector<1024xf32> to vector<1x1024xf32>
    %add3A_510 = arith.constant 1.000000e+00 : f32
    %add3A_511 = vector.broadcast %add3A_510 : f32 to vector<1x1024xf32>
    %add3A_512 = arith.addf %add3A_511, %broadcast_in_dim3A_509 : vector<1x1024xf32>
    %jit3A_513 = arith.constant 0.000000e+00 : f32
    %broadcast_in_dim3A_514 = vector.broadcast %jit3A_513 : f32 to vector<16x1024xf32>
    %select_n3A_515 = arith.select %or3A_504, %transpose3A, %broadcast_in_dim3A_514 : vector<16x1024xi1>, vector<16x1024xf32>
    %reduce_sum3A_516 = arith.constant dense<0.000000e+00> : vector<1024xf32>
    %reduce_sum3A_517 = vector.multi_reduction <add>, %select_n3A_515, %reduce_sum3A_516 [0] : vector<16x1024xf32> to vector<1024xf32>
    %broadcast_in_dim3A_518 = vector.shape_cast %reduce_sum3A_517 : vector<1024xf32> to vector<1x1024xf32>
    %add3A_519 = arith.addf %slice3A_495, %broadcast_in_dim3A_518 : vector<1x1024xf32>
    %mul3A_520 = arith.mulf %add3A_512, %slice3A_495 : vector<1x1024xf32>
    %add3A_521 = arith.constant 1.000000e+00 : f32
    %add3A_522 = vector.broadcast %add3A_521 : f32 to vector<1x1024xf32>
    %add3A_523 = arith.addf %add3A_522, %mul3A_520 : vector<1x1024xf32>
    %gt3A_524 = arith.cmpf ogt, %add3A_523, %add3A_519 : vector<1x1024xf32>
    %convert_element_type3A_525 = arith.extui %gt3A_524 : vector<1x1024xi1> to vector<1x1024xi32>
    %convert_element_type3A_526 = arith.sitofp %convert_element_type3A_525 : vector<1x1024xi32> to vector<1x1024xf32>
    %add3A_527 = arith.addf %add3A_490, %convert_element_type3A_526 : vector<1x1024xf32>
    %jit3A_528 = arith.constant 0.000000e+00 : f32
    %broadcast_in_dim3A_529 = vector.broadcast %jit3A_528 : f32 to vector<1x1024xf32>
    %select_n3A_530 = arith.select %gt3A_524, %slice3A_495, %broadcast_in_dim3A_529 : vector<1x1024xi1>, vector<1x1024xf32>
    %add3A_531 = arith.addf %add3A_494, %select_n3A_530 : vector<1x1024xf32>
    %slice3A_532 = vector.extract_strided_slice %transpose3A {offsets = [14, 0], sizes = [1, 1024], strides = [1, 1]} : vector<16x1024xf32> to vector<1x1024xf32>
    %gt3A_533 = vector.broadcast %slice3A_532 : vector<1x1024xf32> to vector<16x1024xf32>
    %gt3A_534 = arith.cmpf ogt, %transpose3A, %gt3A_533 : vector<16x1024xf32>
    %eq3A_535 = vector.broadcast %slice3A_532 : vector<1x1024xf32> to vector<16x1024xf32>
    %eq3A_536 = arith.cmpf oeq, %transpose3A, %eq3A_535 : vector<16x1024xf32>
    %lt3A_537 = arith.constant 14 : i32
    %lt3A_538 = vector.broadcast %lt3A_537 : i32 to vector<16x1024xi32>
    %lt3A_539 = arith.cmpi slt, %iota3A, %lt3A_538 : vector<16x1024xi32>
    %and3A_540 = arith.andi %eq3A_536, %lt3A_539 : vector<16x1024xi1>
    %or3A_541 = arith.ori %gt3A_534, %and3A_540 : vector<16x1024xi1>
    %convert_element_type3A_542 = arith.extui %or3A_541 : vector<16x1024xi1> to vector<16x1024xi32>
    %convert_element_type3A_543 = arith.sitofp %convert_element_type3A_542 : vector<16x1024xi32> to vector<16x1024xf32>
    %reduce_sum3A_544 = arith.constant dense<0.000000e+00> : vector<1024xf32>
    %reduce_sum3A_545 = vector.multi_reduction <add>, %convert_element_type3A_543, %reduce_sum3A_544 [0] : vector<16x1024xf32> to vector<1024xf32>
    %broadcast_in_dim3A_546 = vector.shape_cast %reduce_sum3A_545 : vector<1024xf32> to vector<1x1024xf32>
    %add3A_547 = arith.constant 1.000000e+00 : f32
    %add3A_548 = vector.broadcast %add3A_547 : f32 to vector<1x1024xf32>
    %add3A_549 = arith.addf %add3A_548, %broadcast_in_dim3A_546 : vector<1x1024xf32>
    %jit3A_550 = arith.constant 0.000000e+00 : f32
    %broadcast_in_dim3A_551 = vector.broadcast %jit3A_550 : f32 to vector<16x1024xf32>
    %select_n3A_552 = arith.select %or3A_541, %transpose3A, %broadcast_in_dim3A_551 : vector<16x1024xi1>, vector<16x1024xf32>
    %reduce_sum3A_553 = arith.constant dense<0.000000e+00> : vector<1024xf32>
    %reduce_sum3A_554 = vector.multi_reduction <add>, %select_n3A_552, %reduce_sum3A_553 [0] : vector<16x1024xf32> to vector<1024xf32>
    %broadcast_in_dim3A_555 = vector.shape_cast %reduce_sum3A_554 : vector<1024xf32> to vector<1x1024xf32>
    %add3A_556 = arith.addf %slice3A_532, %broadcast_in_dim3A_555 : vector<1x1024xf32>
    %mul3A_557 = arith.mulf %add3A_549, %slice3A_532 : vector<1x1024xf32>
    %add3A_558 = arith.constant 1.000000e+00 : f32
    %add3A_559 = vector.broadcast %add3A_558 : f32 to vector<1x1024xf32>
    %add3A_560 = arith.addf %add3A_559, %mul3A_557 : vector<1x1024xf32>
    %gt3A_561 = arith.cmpf ogt, %add3A_560, %add3A_556 : vector<1x1024xf32>
    %convert_element_type3A_562 = arith.extui %gt3A_561 : vector<1x1024xi1> to vector<1x1024xi32>
    %convert_element_type3A_563 = arith.sitofp %convert_element_type3A_562 : vector<1x1024xi32> to vector<1x1024xf32>
    %add3A_564 = arith.addf %add3A_527, %convert_element_type3A_563 : vector<1x1024xf32>
    %jit3A_565 = arith.constant 0.000000e+00 : f32
    %broadcast_in_dim3A_566 = vector.broadcast %jit3A_565 : f32 to vector<1x1024xf32>
    %select_n3A_567 = arith.select %gt3A_561, %slice3A_532, %broadcast_in_dim3A_566 : vector<1x1024xi1>, vector<1x1024xf32>
    %add3A_568 = arith.addf %add3A_531, %select_n3A_567 : vector<1x1024xf32>
    %slice3A_569 = vector.extract_strided_slice %transpose3A {offsets = [15, 0], sizes = [1, 1024], strides = [1, 1]} : vector<16x1024xf32> to vector<1x1024xf32>
    %gt3A_570 = vector.broadcast %slice3A_569 : vector<1x1024xf32> to vector<16x1024xf32>
    %gt3A_571 = arith.cmpf ogt, %transpose3A, %gt3A_570 : vector<16x1024xf32>
    %eq3A_572 = vector.broadcast %slice3A_569 : vector<1x1024xf32> to vector<16x1024xf32>
    %eq3A_573 = arith.cmpf oeq, %transpose3A, %eq3A_572 : vector<16x1024xf32>
    %lt3A_574 = arith.constant 15 : i32
    %lt3A_575 = vector.broadcast %lt3A_574 : i32 to vector<16x1024xi32>
    %lt3A_576 = arith.cmpi slt, %iota3A, %lt3A_575 : vector<16x1024xi32>
    %and3A_577 = arith.andi %eq3A_573, %lt3A_576 : vector<16x1024xi1>
    %or3A_578 = arith.ori %gt3A_571, %and3A_577 : vector<16x1024xi1>
    %convert_element_type3A_579 = arith.extui %or3A_578 : vector<16x1024xi1> to vector<16x1024xi32>
    %convert_element_type3A_580 = arith.sitofp %convert_element_type3A_579 : vector<16x1024xi32> to vector<16x1024xf32>
    %reduce_sum3A_581 = arith.constant dense<0.000000e+00> : vector<1024xf32>
    %reduce_sum3A_582 = vector.multi_reduction <add>, %convert_element_type3A_580, %reduce_sum3A_581 [0] : vector<16x1024xf32> to vector<1024xf32>
    %broadcast_in_dim3A_583 = vector.shape_cast %reduce_sum3A_582 : vector<1024xf32> to vector<1x1024xf32>
    %add3A_584 = arith.constant 1.000000e+00 : f32
    %add3A_585 = vector.broadcast %add3A_584 : f32 to vector<1x1024xf32>
    %add3A_586 = arith.addf %add3A_585, %broadcast_in_dim3A_583 : vector<1x1024xf32>
    %jit3A_587 = arith.constant 0.000000e+00 : f32
    %broadcast_in_dim3A_588 = vector.broadcast %jit3A_587 : f32 to vector<16x1024xf32>
    %select_n3A_589 = arith.select %or3A_578, %transpose3A, %broadcast_in_dim3A_588 : vector<16x1024xi1>, vector<16x1024xf32>
    %reduce_sum3A_590 = arith.constant dense<0.000000e+00> : vector<1024xf32>
    %reduce_sum3A_591 = vector.multi_reduction <add>, %select_n3A_589, %reduce_sum3A_590 [0] : vector<16x1024xf32> to vector<1024xf32>
    %broadcast_in_dim3A_592 = vector.shape_cast %reduce_sum3A_591 : vector<1024xf32> to vector<1x1024xf32>
    %add3A_593 = arith.addf %slice3A_569, %broadcast_in_dim3A_592 : vector<1x1024xf32>
    %mul3A_594 = arith.mulf %add3A_586, %slice3A_569 : vector<1x1024xf32>
    %add3A_595 = arith.constant 1.000000e+00 : f32
    %add3A_596 = vector.broadcast %add3A_595 : f32 to vector<1x1024xf32>
    %add3A_597 = arith.addf %add3A_596, %mul3A_594 : vector<1x1024xf32>
    %gt3A_598 = arith.cmpf ogt, %add3A_597, %add3A_593 : vector<1x1024xf32>
    %convert_element_type3A_599 = arith.extui %gt3A_598 : vector<1x1024xi1> to vector<1x1024xi32>
    %convert_element_type3A_600 = arith.sitofp %convert_element_type3A_599 : vector<1x1024xi32> to vector<1x1024xf32>
    %add3A_601 = arith.addf %add3A_564, %convert_element_type3A_600 : vector<1x1024xf32>
    %jit3A_602 = arith.constant 0.000000e+00 : f32
    %broadcast_in_dim3A_603 = vector.broadcast %jit3A_602 : f32 to vector<1x1024xf32>
    %select_n3A_604 = arith.select %gt3A_598, %slice3A_569, %broadcast_in_dim3A_603 : vector<1x1024xi1>, vector<1x1024xf32>
    %add3A_605 = arith.addf %add3A_568, %select_n3A_604 : vector<1x1024xf32>
    %sub3A = arith.constant 1.000000e+00 : f32
    %sub3A_606 = vector.broadcast %sub3A : f32 to vector<1x1024xf32>
    %sub3A_607 = arith.subf %add3A_605, %sub3A_606 : vector<1x1024xf32>
    %div3A = arith.divf %sub3A_607, %add3A_601 : vector<1x1024xf32>
    %sub3A_608 = vector.broadcast %div3A : vector<1x1024xf32> to vector<16x1024xf32>
    %sub3A_609 = arith.subf %transpose3A, %sub3A_608 : vector<16x1024xf32>
    %max3A_610 = arith.constant 0.000000e+00 : f32
    %max3A_611 = vector.broadcast %max3A_610 : f32 to vector<16x1024xf32>
    %max3A_612 = arith.maximumf %sub3A_609, %max3A_611 : vector<16x1024xf32>
    %transpose3A_613 = tpu.transpose %max3A_612, [1, 0] : vector<16x1024xf32> -> vector<1024x16xf32>
    %eq3A_614 = arith.constant 0 : i32
    %eq3A_615 = arith.cmpi eq, %arg0, %eq3A_614 : i32
    %convert_element_type3A_616 = arith.extui %eq3A_615 : i1 to i32
    %cond3A = arith.constant 0 : i32
    %cond3A_617 = arith.cmpi ne, %convert_element_type3A_616, %cond3A : i32
    scf.if %cond3A_617 {
      %broadcast_in_dim3A_1000 = arith.constant 0.000000e+00 : f32
      %broadcast_in_dim3A_1001 = vector.broadcast %broadcast_in_dim3A_1000 : f32 to vector<16x1xf32>
      %swap3A_1002 = arith.constant 0 : index
      %swap3A_1003 = arith.constant 0 : index
      %swap3A_1004 = vector.load %arg14[%swap3A_1002, %swap3A_1003] : memref<16x1xf32, #tpu.memory_space<vmem>>, vector<16x1xf32>
      tpu.vector_store %arg14[%swap3A_1002, %swap3A_1003], %broadcast_in_dim3A_1001 {strides = array<i32>} : memref<16x1xf32, #tpu.memory_space<vmem>>, vector<16x1xf32>,
      %broadcast_in_dim3A_1005 = arith.constant 0.000000e+00 : f32
      %broadcast_in_dim3A_1006 = vector.broadcast %broadcast_in_dim3A_1005 : f32 to vector<1x1xf32>
      %swap3A_1007 = arith.constant 0 : index
      %swap3A_1008 = arith.constant 0 : index
      %swap3A_1009 = vector.load %arg15[%swap3A_1007, %swap3A_1008] : memref<1x1xf32, #tpu.memory_space<vmem>>, vector<1x1xf32>
      tpu.vector_store %arg15[%swap3A_1007, %swap3A_1008], %broadcast_in_dim3A_1006 {strides = array<i32>} : memref<1x1xf32, #tpu.memory_space<vmem>>, vector<1x1xf32>,
    } else {
    }
    %get3A_618 = arith.constant 0 : index
    %get3A_619 = arith.constant 0 : index
    %get3A_620 = vector.load %arg14[%get3A_618, %get3A_619] : memref<16x1xf32, #tpu.memory_space<vmem>>, vector<16x1xf32>
    %reduce_sum3A_621 = arith.constant dense<0.000000e+00> : vector<16xf32>
    %reduce_sum3A_622 = vector.multi_reduction <add>, %max3A_612, %reduce_sum3A_621 [1] : vector<16x1024xf32> to vector<16xf32>
    %broadcast_in_dim3A_623 = vector.shape_cast %reduce_sum3A_622 : vector<16xf32> to vector<16x1xf32>
    %add3A_624 = arith.addf %get3A_620, %broadcast_in_dim3A_623 : vector<16x1xf32>
    %swap3A = arith.constant 0 : index
    %swap3A_625 = arith.constant 0 : index
    %swap3A_626 = vector.load %arg14[%swap3A, %swap3A_625] : memref<16x1xf32, #tpu.memory_space<vmem>>, vector<16x1xf32>
    tpu.vector_store %arg14[%swap3A, %swap3A_625], %add3A_624 {strides = array<i32>} : memref<16x1xf32, #tpu.memory_space<vmem>>, vector<16x1xf32>,
    %mul3A_627 = arith.mulf %max3A_612, %max3A_612 : vector<16x1024xf32>
    %reduce_sum3A_628 = arith.constant dense<0.000000e+00> : vector<1024xf32>
    %reduce_sum3A_629 = vector.multi_reduction <add>, %mul3A_627, %reduce_sum3A_628 [0] : vector<16x1024xf32> to vector<1024xf32>
    %broadcast_in_dim3A_630 = vector.shape_cast %reduce_sum3A_629 : vector<1024xf32> to vector<1x1024xf32>
    %sqrt3A = math.sqrt %broadcast_in_dim3A_630 : vector<1x1024xf32>
    %get3A_631 = arith.constant 0 : index
    %get3A_632 = arith.constant 0 : index
    %get3A_633 = vector.load %arg15[%get3A_631, %get3A_632] : memref<1x1xf32, #tpu.memory_space<vmem>>, vector<1x1xf32>
    %reduce_sum3A_634 = arith.constant dense<0.000000e+00> : vector<1xf32>
    %reduce_sum3A_635 = vector.multi_reduction <add>, %sqrt3A, %reduce_sum3A_634 [1] : vector<1x1024xf32> to vector<1xf32>
    %broadcast_in_dim3A_636 = vector.shape_cast %reduce_sum3A_635 : vector<1xf32> to vector<1x1xf32>
    %add3A_637 = arith.addf %get3A_633, %broadcast_in_dim3A_636 : vector<1x1xf32>
    %swap3A_638 = arith.constant 0 : index
    %swap3A_639 = arith.constant 0 : index
    %swap3A_640 = vector.load %arg15[%swap3A_638, %swap3A_639] : memref<1x1xf32, #tpu.memory_space<vmem>>, vector<1x1xf32>
    tpu.vector_store %arg15[%swap3A_638, %swap3A_639], %add3A_637 {strides = array<i32>} : memref<1x1xf32, #tpu.memory_space<vmem>>, vector<1x1xf32>,
    %get3A_641 = arith.constant 0 : index
    %get3A_642 = arith.constant 0 : index
    %get3A_643 = vector.load %arg2[%get3A_641, %get3A_642] : memref<1024x416xf32, #tpu.memory_space<vmem>>, vector<1024x416xf32>
    %broadcast_in_dim3A_644 = arith.constant 0.000000e+00 : f32
    %broadcast_in_dim3A_645 = vector.broadcast %broadcast_in_dim3A_644 : f32 to vector<1024x16xf32>
    %get3A_646 = arith.constant 0 : index
    %get3A_647 = arith.constant 0 : index
    %get3A_648 = vector.load %arg10[%get3A_646, %get3A_647] : memref<1x16xf32, #tpu.memory_space<vmem>>, vector<1x16xf32>
    %add3A_649 = vector.broadcast %get3A_648 : vector<1x16xf32> to vector<1024x16xf32>
    %add3A_650 = arith.addf %broadcast_in_dim3A_645, %add3A_649 : vector<1024x16xf32>
    %get3A_651 = arith.constant 0 : index
    %get3A_652 = arith.constant 0 : index
    %get3A_653 = arith.constant 0 : index
    %get3A_654 = vector.load %arg7[%get3A_651, %get3A_652, %get3A_653] : memref<16x416x512xf32, #tpu.memory_space<vmem>>, vector<1x416x512xf32>
    %get3A_655 = vector.shape_cast %get3A_654 : vector<1x416x512xf32> to vector<416x512xf32>
    %dot_general3A_656 = arith.constant dense<0.000000e+00> : vector<1024x512xf32>
    %dot_general3A_657 = tpu.matmul %get3A_643, %get3A_655, %dot_general3A_656 {dimension_numbers = #tpu.dot_dimension_numbers<[1], [0], [0], [1], [0, 0, 1, 1], [], []>, transpose_lhs_hint = false} : vector<1024x416xf32>, vector<416x512xf32>, vector<1024x512xf32> -> vector<1024x512xf32>
    %get3A_658 = arith.constant 0 : index
    %get3A_659 = arith.constant 0 : index
    %get3A_660 = vector.load %arg8[%get3A_658, %get3A_659] : memref<16x512xf32, #tpu.memory_space<vmem>>, vector<1x512xf32>
    %add3A_661 = vector.broadcast %get3A_660 : vector<1x512xf32> to vector<1024x512xf32>
    %add3A_662 = arith.addf %dot_general3A_657, %add3A_661 : vector<1024x512xf32>
    %max3A_663 = arith.constant 0.000000e+00 : f32
    %max3A_664 = vector.broadcast %max3A_663 : f32 to vector<1024x512xf32>
    %max3A_665 = arith.maximumf %add3A_662, %max3A_664 : vector<1024x512xf32>
    %get3A_666 = arith.constant 0 : index
    %get3A_667 = arith.constant 0 : index
    %get3A_668 = vector.load %arg9[%get3A_666, %get3A_667] : memref<8192x16xf32, #tpu.memory_space<vmem>>, vector<512x16xf32>
    %dot_general3A_669 = arith.constant dense<0.000000e+00> : vector<1024x16xf32>
    %dot_general3A_670 = tpu.matmul %max3A_665, %get3A_668, %dot_general3A_669 {dimension_numbers = #tpu.dot_dimension_numbers<[1], [0], [0], [1], [0, 0, 1, 1], [], []>, transpose_lhs_hint = false} : vector<1024x512xf32>, vector<512x16xf32>, vector<1024x16xf32> -> vector<1024x16xf32>
    %add3A_671 = arith.addf %add3A_650, %dot_general3A_670 : vector<1024x16xf32>
    %get3A_672 = arith.constant 1 : index
    %get3A_673 = arith.constant 0 : index
    %get3A_674 = arith.constant 0 : index
    %get3A_675 = vector.load %arg7[%get3A_672, %get3A_673, %get3A_674] : memref<16x416x512xf32, #tpu.memory_space<vmem>>, vector<1x416x512xf32>
    %get3A_676 = vector.shape_cast %get3A_675 : vector<1x416x512xf32> to vector<416x512xf32>
    %dot_general3A_677 = arith.constant dense<0.000000e+00> : vector<1024x512xf32>
    %dot_general3A_678 = tpu.matmul %get3A_643, %get3A_676, %dot_general3A_677 {dimension_numbers = #tpu.dot_dimension_numbers<[1], [0], [0], [1], [0, 0, 1, 1], [], []>, transpose_lhs_hint = false} : vector<1024x416xf32>, vector<416x512xf32>, vector<1024x512xf32> -> vector<1024x512xf32>
    %get3A_679 = arith.constant 1 : index
    %get3A_680 = arith.constant 0 : index
    %get3A_681 = vector.load %arg8[%get3A_679, %get3A_680] : memref<16x512xf32, #tpu.memory_space<vmem>>, vector<1x512xf32>
    %add3A_682 = vector.broadcast %get3A_681 : vector<1x512xf32> to vector<1024x512xf32>
    %add3A_683 = arith.addf %dot_general3A_678, %add3A_682 : vector<1024x512xf32>
    %max3A_684 = arith.constant 0.000000e+00 : f32
    %max3A_685 = vector.broadcast %max3A_684 : f32 to vector<1024x512xf32>
    %max3A_686 = arith.maximumf %add3A_683, %max3A_685 : vector<1024x512xf32>
    %get3A_687 = arith.constant 512 : index
    %get3A_688 = arith.constant 0 : index
    %get3A_689 = vector.load %arg9[%get3A_687, %get3A_688] : memref<8192x16xf32, #tpu.memory_space<vmem>>, vector<512x16xf32>
    %dot_general3A_690 = arith.constant dense<0.000000e+00> : vector<1024x16xf32>
    %dot_general3A_691 = tpu.matmul %max3A_686, %get3A_689, %dot_general3A_690 {dimension_numbers = #tpu.dot_dimension_numbers<[1], [0], [0], [1], [0, 0, 1, 1], [], []>, transpose_lhs_hint = false} : vector<1024x512xf32>, vector<512x16xf32>, vector<1024x16xf32> -> vector<1024x16xf32>
    %add3A_692 = arith.addf %add3A_671, %dot_general3A_691 : vector<1024x16xf32>
    %get3A_693 = arith.constant 2 : index
    %get3A_694 = arith.constant 0 : index
    %get3A_695 = arith.constant 0 : index
    %get3A_696 = vector.load %arg7[%get3A_693, %get3A_694, %get3A_695] : memref<16x416x512xf32, #tpu.memory_space<vmem>>, vector<1x416x512xf32>
    %get3A_697 = vector.shape_cast %get3A_696 : vector<1x416x512xf32> to vector<416x512xf32>
    %dot_general3A_698 = arith.constant dense<0.000000e+00> : vector<1024x512xf32>
    %dot_general3A_699 = tpu.matmul %get3A_643, %get3A_697, %dot_general3A_698 {dimension_numbers = #tpu.dot_dimension_numbers<[1], [0], [0], [1], [0, 0, 1, 1], [], []>, transpose_lhs_hint = false} : vector<1024x416xf32>, vector<416x512xf32>, vector<1024x512xf32> -> vector<1024x512xf32>
    %get3A_700 = arith.constant 2 : index
    %get3A_701 = arith.constant 0 : index
    %get3A_702 = vector.load %arg8[%get3A_700, %get3A_701] : memref<16x512xf32, #tpu.memory_space<vmem>>, vector<1x512xf32>
    %add3A_703 = vector.broadcast %get3A_702 : vector<1x512xf32> to vector<1024x512xf32>
    %add3A_704 = arith.addf %dot_general3A_699, %add3A_703 : vector<1024x512xf32>
    %max3A_705 = arith.constant 0.000000e+00 : f32
    %max3A_706 = vector.broadcast %max3A_705 : f32 to vector<1024x512xf32>
    %max3A_707 = arith.maximumf %add3A_704, %max3A_706 : vector<1024x512xf32>
    %get3A_708 = arith.constant 1024 : index
    %get3A_709 = arith.constant 0 : index
    %get3A_710 = vector.load %arg9[%get3A_708, %get3A_709] : memref<8192x16xf32, #tpu.memory_space<vmem>>, vector<512x16xf32>
    %dot_general3A_711 = arith.constant dense<0.000000e+00> : vector<1024x16xf32>
    %dot_general3A_712 = tpu.matmul %max3A_707, %get3A_710, %dot_general3A_711 {dimension_numbers = #tpu.dot_dimension_numbers<[1], [0], [0], [1], [0, 0, 1, 1], [], []>, transpose_lhs_hint = false} : vector<1024x512xf32>, vector<512x16xf32>, vector<1024x16xf32> -> vector<1024x16xf32>
    %add3A_713 = arith.addf %add3A_692, %dot_general3A_712 : vector<1024x16xf32>
    %get3A_714 = arith.constant 3 : index
    %get3A_715 = arith.constant 0 : index
    %get3A_716 = arith.constant 0 : index
    %get3A_717 = vector.load %arg7[%get3A_714, %get3A_715, %get3A_716] : memref<16x416x512xf32, #tpu.memory_space<vmem>>, vector<1x416x512xf32>
    %get3A_718 = vector.shape_cast %get3A_717 : vector<1x416x512xf32> to vector<416x512xf32>
    %dot_general3A_719 = arith.constant dense<0.000000e+00> : vector<1024x512xf32>
    %dot_general3A_720 = tpu.matmul %get3A_643, %get3A_718, %dot_general3A_719 {dimension_numbers = #tpu.dot_dimension_numbers<[1], [0], [0], [1], [0, 0, 1, 1], [], []>, transpose_lhs_hint = false} : vector<1024x416xf32>, vector<416x512xf32>, vector<1024x512xf32> -> vector<1024x512xf32>
    %get3A_721 = arith.constant 3 : index
    %get3A_722 = arith.constant 0 : index
    %get3A_723 = vector.load %arg8[%get3A_721, %get3A_722] : memref<16x512xf32, #tpu.memory_space<vmem>>, vector<1x512xf32>
    %add3A_724 = vector.broadcast %get3A_723 : vector<1x512xf32> to vector<1024x512xf32>
    %add3A_725 = arith.addf %dot_general3A_720, %add3A_724 : vector<1024x512xf32>
    %max3A_726 = arith.constant 0.000000e+00 : f32
    %max3A_727 = vector.broadcast %max3A_726 : f32 to vector<1024x512xf32>
    %max3A_728 = arith.maximumf %add3A_725, %max3A_727 : vector<1024x512xf32>
    %get3A_729 = arith.constant 1536 : index
    %get3A_730 = arith.constant 0 : index
    %get3A_731 = vector.load %arg9[%get3A_729, %get3A_730] : memref<8192x16xf32, #tpu.memory_space<vmem>>, vector<512x16xf32>
    %dot_general3A_732 = arith.constant dense<0.000000e+00> : vector<1024x16xf32>
    %dot_general3A_733 = tpu.matmul %max3A_728, %get3A_731, %dot_general3A_732 {dimension_numbers = #tpu.dot_dimension_numbers<[1], [0], [0], [1], [0, 0, 1, 1], [], []>, transpose_lhs_hint = false} : vector<1024x512xf32>, vector<512x16xf32>, vector<1024x16xf32> -> vector<1024x16xf32>
    %add3A_734 = arith.addf %add3A_713, %dot_general3A_733 : vector<1024x16xf32>
    %get3A_735 = arith.constant 4 : index
    %get3A_736 = arith.constant 0 : index
    %get3A_737 = arith.constant 0 : index
    %get3A_738 = vector.load %arg7[%get3A_735, %get3A_736, %get3A_737] : memref<16x416x512xf32, #tpu.memory_space<vmem>>, vector<1x416x512xf32>
    %get3A_739 = vector.shape_cast %get3A_738 : vector<1x416x512xf32> to vector<416x512xf32>
    %dot_general3A_740 = arith.constant dense<0.000000e+00> : vector<1024x512xf32>
    %dot_general3A_741 = tpu.matmul %get3A_643, %get3A_739, %dot_general3A_740 {dimension_numbers = #tpu.dot_dimension_numbers<[1], [0], [0], [1], [0, 0, 1, 1], [], []>, transpose_lhs_hint = false} : vector<1024x416xf32>, vector<416x512xf32>, vector<1024x512xf32> -> vector<1024x512xf32>
    %get3A_742 = arith.constant 4 : index
    %get3A_743 = arith.constant 0 : index
    %get3A_744 = vector.load %arg8[%get3A_742, %get3A_743] : memref<16x512xf32, #tpu.memory_space<vmem>>, vector<1x512xf32>
    %add3A_745 = vector.broadcast %get3A_744 : vector<1x512xf32> to vector<1024x512xf32>
    %add3A_746 = arith.addf %dot_general3A_741, %add3A_745 : vector<1024x512xf32>
    %max3A_747 = arith.constant 0.000000e+00 : f32
    %max3A_748 = vector.broadcast %max3A_747 : f32 to vector<1024x512xf32>
    %max3A_749 = arith.maximumf %add3A_746, %max3A_748 : vector<1024x512xf32>
    %get3A_750 = arith.constant 2048 : index
    %get3A_751 = arith.constant 0 : index
    %get3A_752 = vector.load %arg9[%get3A_750, %get3A_751] : memref<8192x16xf32, #tpu.memory_space<vmem>>, vector<512x16xf32>
    %dot_general3A_753 = arith.constant dense<0.000000e+00> : vector<1024x16xf32>
    %dot_general3A_754 = tpu.matmul %max3A_749, %get3A_752, %dot_general3A_753 {dimension_numbers = #tpu.dot_dimension_numbers<[1], [0], [0], [1], [0, 0, 1, 1], [], []>, transpose_lhs_hint = false} : vector<1024x512xf32>, vector<512x16xf32>, vector<1024x16xf32> -> vector<1024x16xf32>
    %add3A_755 = arith.addf %add3A_734, %dot_general3A_754 : vector<1024x16xf32>
    %get3A_756 = arith.constant 5 : index
    %get3A_757 = arith.constant 0 : index
    %get3A_758 = arith.constant 0 : index
    %get3A_759 = vector.load %arg7[%get3A_756, %get3A_757, %get3A_758] : memref<16x416x512xf32, #tpu.memory_space<vmem>>, vector<1x416x512xf32>
    %get3A_760 = vector.shape_cast %get3A_759 : vector<1x416x512xf32> to vector<416x512xf32>
    %dot_general3A_761 = arith.constant dense<0.000000e+00> : vector<1024x512xf32>
    %dot_general3A_762 = tpu.matmul %get3A_643, %get3A_760, %dot_general3A_761 {dimension_numbers = #tpu.dot_dimension_numbers<[1], [0], [0], [1], [0, 0, 1, 1], [], []>, transpose_lhs_hint = false} : vector<1024x416xf32>, vector<416x512xf32>, vector<1024x512xf32> -> vector<1024x512xf32>
    %get3A_763 = arith.constant 5 : index
    %get3A_764 = arith.constant 0 : index
    %get3A_765 = vector.load %arg8[%get3A_763, %get3A_764] : memref<16x512xf32, #tpu.memory_space<vmem>>, vector<1x512xf32>
    %add3A_766 = vector.broadcast %get3A_765 : vector<1x512xf32> to vector<1024x512xf32>
    %add3A_767 = arith.addf %dot_general3A_762, %add3A_766 : vector<1024x512xf32>
    %max3A_768 = arith.constant 0.000000e+00 : f32
    %max3A_769 = vector.broadcast %max3A_768 : f32 to vector<1024x512xf32>
    %max3A_770 = arith.maximumf %add3A_767, %max3A_769 : vector<1024x512xf32>
    %get3A_771 = arith.constant 2560 : index
    %get3A_772 = arith.constant 0 : index
    %get3A_773 = vector.load %arg9[%get3A_771, %get3A_772] : memref<8192x16xf32, #tpu.memory_space<vmem>>, vector<512x16xf32>
    %dot_general3A_774 = arith.constant dense<0.000000e+00> : vector<1024x16xf32>
    %dot_general3A_775 = tpu.matmul %max3A_770, %get3A_773, %dot_general3A_774 {dimension_numbers = #tpu.dot_dimension_numbers<[1], [0], [0], [1], [0, 0, 1, 1], [], []>, transpose_lhs_hint = false} : vector<1024x512xf32>, vector<512x16xf32>, vector<1024x16xf32> -> vector<1024x16xf32>
    %add3A_776 = arith.addf %add3A_755, %dot_general3A_775 : vector<1024x16xf32>
    %get3A_777 = arith.constant 6 : index
    %get3A_778 = arith.constant 0 : index
    %get3A_779 = arith.constant 0 : index
    %get3A_780 = vector.load %arg7[%get3A_777, %get3A_778, %get3A_779] : memref<16x416x512xf32, #tpu.memory_space<vmem>>, vector<1x416x512xf32>
    %get3A_781 = vector.shape_cast %get3A_780 : vector<1x416x512xf32> to vector<416x512xf32>
    %dot_general3A_782 = arith.constant dense<0.000000e+00> : vector<1024x512xf32>
    %dot_general3A_783 = tpu.matmul %get3A_643, %get3A_781, %dot_general3A_782 {dimension_numbers = #tpu.dot_dimension_numbers<[1], [0], [0], [1], [0, 0, 1, 1], [], []>, transpose_lhs_hint = false} : vector<1024x416xf32>, vector<416x512xf32>, vector<1024x512xf32> -> vector<1024x512xf32>
    %get3A_784 = arith.constant 6 : index
    %get3A_785 = arith.constant 0 : index
    %get3A_786 = vector.load %arg8[%get3A_784, %get3A_785] : memref<16x512xf32, #tpu.memory_space<vmem>>, vector<1x512xf32>
    %add3A_787 = vector.broadcast %get3A_786 : vector<1x512xf32> to vector<1024x512xf32>
    %add3A_788 = arith.addf %dot_general3A_783, %add3A_787 : vector<1024x512xf32>
    %max3A_789 = arith.constant 0.000000e+00 : f32
    %max3A_790 = vector.broadcast %max3A_789 : f32 to vector<1024x512xf32>
    %max3A_791 = arith.maximumf %add3A_788, %max3A_790 : vector<1024x512xf32>
    %get3A_792 = arith.constant 3072 : index
    %get3A_793 = arith.constant 0 : index
    %get3A_794 = vector.load %arg9[%get3A_792, %get3A_793] : memref<8192x16xf32, #tpu.memory_space<vmem>>, vector<512x16xf32>
    %dot_general3A_795 = arith.constant dense<0.000000e+00> : vector<1024x16xf32>
    %dot_general3A_796 = tpu.matmul %max3A_791, %get3A_794, %dot_general3A_795 {dimension_numbers = #tpu.dot_dimension_numbers<[1], [0], [0], [1], [0, 0, 1, 1], [], []>, transpose_lhs_hint = false} : vector<1024x512xf32>, vector<512x16xf32>, vector<1024x16xf32> -> vector<1024x16xf32>
    %add3A_797 = arith.addf %add3A_776, %dot_general3A_796 : vector<1024x16xf32>
    %get3A_798 = arith.constant 7 : index
    %get3A_799 = arith.constant 0 : index
    %get3A_800 = arith.constant 0 : index
    %get3A_801 = vector.load %arg7[%get3A_798, %get3A_799, %get3A_800] : memref<16x416x512xf32, #tpu.memory_space<vmem>>, vector<1x416x512xf32>
    %get3A_802 = vector.shape_cast %get3A_801 : vector<1x416x512xf32> to vector<416x512xf32>
    %dot_general3A_803 = arith.constant dense<0.000000e+00> : vector<1024x512xf32>
    %dot_general3A_804 = tpu.matmul %get3A_643, %get3A_802, %dot_general3A_803 {dimension_numbers = #tpu.dot_dimension_numbers<[1], [0], [0], [1], [0, 0, 1, 1], [], []>, transpose_lhs_hint = false} : vector<1024x416xf32>, vector<416x512xf32>, vector<1024x512xf32> -> vector<1024x512xf32>
    %get3A_805 = arith.constant 7 : index
    %get3A_806 = arith.constant 0 : index
    %get3A_807 = vector.load %arg8[%get3A_805, %get3A_806] : memref<16x512xf32, #tpu.memory_space<vmem>>, vector<1x512xf32>
    %add3A_808 = vector.broadcast %get3A_807 : vector<1x512xf32> to vector<1024x512xf32>
    %add3A_809 = arith.addf %dot_general3A_804, %add3A_808 : vector<1024x512xf32>
    %max3A_810 = arith.constant 0.000000e+00 : f32
    %max3A_811 = vector.broadcast %max3A_810 : f32 to vector<1024x512xf32>
    %max3A_812 = arith.maximumf %add3A_809, %max3A_811 : vector<1024x512xf32>
    %get3A_813 = arith.constant 3584 : index
    %get3A_814 = arith.constant 0 : index
    %get3A_815 = vector.load %arg9[%get3A_813, %get3A_814] : memref<8192x16xf32, #tpu.memory_space<vmem>>, vector<512x16xf32>
    %dot_general3A_816 = arith.constant dense<0.000000e+00> : vector<1024x16xf32>
    %dot_general3A_817 = tpu.matmul %max3A_812, %get3A_815, %dot_general3A_816 {dimension_numbers = #tpu.dot_dimension_numbers<[1], [0], [0], [1], [0, 0, 1, 1], [], []>, transpose_lhs_hint = false} : vector<1024x512xf32>, vector<512x16xf32>, vector<1024x16xf32> -> vector<1024x16xf32>
    %add3A_818 = arith.addf %add3A_797, %dot_general3A_817 : vector<1024x16xf32>
    %get3A_819 = arith.constant 8 : index
    %get3A_820 = arith.constant 0 : index
    %get3A_821 = arith.constant 0 : index
    %get3A_822 = vector.load %arg7[%get3A_819, %get3A_820, %get3A_821] : memref<16x416x512xf32, #tpu.memory_space<vmem>>, vector<1x416x512xf32>
    %get3A_823 = vector.shape_cast %get3A_822 : vector<1x416x512xf32> to vector<416x512xf32>
    %dot_general3A_824 = arith.constant dense<0.000000e+00> : vector<1024x512xf32>
    %dot_general3A_825 = tpu.matmul %get3A_643, %get3A_823, %dot_general3A_824 {dimension_numbers = #tpu.dot_dimension_numbers<[1], [0], [0], [1], [0, 0, 1, 1], [], []>, transpose_lhs_hint = false} : vector<1024x416xf32>, vector<416x512xf32>, vector<1024x512xf32> -> vector<1024x512xf32>
    %get3A_826 = arith.constant 8 : index
    %get3A_827 = arith.constant 0 : index
    %get3A_828 = vector.load %arg8[%get3A_826, %get3A_827] : memref<16x512xf32, #tpu.memory_space<vmem>>, vector<1x512xf32>
    %add3A_829 = vector.broadcast %get3A_828 : vector<1x512xf32> to vector<1024x512xf32>
    %add3A_830 = arith.addf %dot_general3A_825, %add3A_829 : vector<1024x512xf32>
    %max3A_831 = arith.constant 0.000000e+00 : f32
    %max3A_832 = vector.broadcast %max3A_831 : f32 to vector<1024x512xf32>
    %max3A_833 = arith.maximumf %add3A_830, %max3A_832 : vector<1024x512xf32>
    %get3A_834 = arith.constant 4096 : index
    %get3A_835 = arith.constant 0 : index
    %get3A_836 = vector.load %arg9[%get3A_834, %get3A_835] : memref<8192x16xf32, #tpu.memory_space<vmem>>, vector<512x16xf32>
    %dot_general3A_837 = arith.constant dense<0.000000e+00> : vector<1024x16xf32>
    %dot_general3A_838 = tpu.matmul %max3A_833, %get3A_836, %dot_general3A_837 {dimension_numbers = #tpu.dot_dimension_numbers<[1], [0], [0], [1], [0, 0, 1, 1], [], []>, transpose_lhs_hint = false} : vector<1024x512xf32>, vector<512x16xf32>, vector<1024x16xf32> -> vector<1024x16xf32>
    %add3A_839 = arith.addf %add3A_818, %dot_general3A_838 : vector<1024x16xf32>
    %get3A_840 = arith.constant 9 : index
    %get3A_841 = arith.constant 0 : index
    %get3A_842 = arith.constant 0 : index
    %get3A_843 = vector.load %arg7[%get3A_840, %get3A_841, %get3A_842] : memref<16x416x512xf32, #tpu.memory_space<vmem>>, vector<1x416x512xf32>
    %get3A_844 = vector.shape_cast %get3A_843 : vector<1x416x512xf32> to vector<416x512xf32>
    %dot_general3A_845 = arith.constant dense<0.000000e+00> : vector<1024x512xf32>
    %dot_general3A_846 = tpu.matmul %get3A_643, %get3A_844, %dot_general3A_845 {dimension_numbers = #tpu.dot_dimension_numbers<[1], [0], [0], [1], [0, 0, 1, 1], [], []>, transpose_lhs_hint = false} : vector<1024x416xf32>, vector<416x512xf32>, vector<1024x512xf32> -> vector<1024x512xf32>
    %get3A_847 = arith.constant 9 : index
    %get3A_848 = arith.constant 0 : index
    %get3A_849 = vector.load %arg8[%get3A_847, %get3A_848] : memref<16x512xf32, #tpu.memory_space<vmem>>, vector<1x512xf32>
    %add3A_850 = vector.broadcast %get3A_849 : vector<1x512xf32> to vector<1024x512xf32>
    %add3A_851 = arith.addf %dot_general3A_846, %add3A_850 : vector<1024x512xf32>
    %max3A_852 = arith.constant 0.000000e+00 : f32
    %max3A_853 = vector.broadcast %max3A_852 : f32 to vector<1024x512xf32>
    %max3A_854 = arith.maximumf %add3A_851, %max3A_853 : vector<1024x512xf32>
    %get3A_855 = arith.constant 4608 : index
    %get3A_856 = arith.constant 0 : index
    %get3A_857 = vector.load %arg9[%get3A_855, %get3A_856] : memref<8192x16xf32, #tpu.memory_space<vmem>>, vector<512x16xf32>
    %dot_general3A_858 = arith.constant dense<0.000000e+00> : vector<1024x16xf32>
    %dot_general3A_859 = tpu.matmul %max3A_854, %get3A_857, %dot_general3A_858 {dimension_numbers = #tpu.dot_dimension_numbers<[1], [0], [0], [1], [0, 0, 1, 1], [], []>, transpose_lhs_hint = false} : vector<1024x512xf32>, vector<512x16xf32>, vector<1024x16xf32> -> vector<1024x16xf32>
    %add3A_860 = arith.addf %add3A_839, %dot_general3A_859 : vector<1024x16xf32>
    %get3A_861 = arith.constant 10 : index
    %get3A_862 = arith.constant 0 : index
    %get3A_863 = arith.constant 0 : index
    %get3A_864 = vector.load %arg7[%get3A_861, %get3A_862, %get3A_863] : memref<16x416x512xf32, #tpu.memory_space<vmem>>, vector<1x416x512xf32>
    %get3A_865 = vector.shape_cast %get3A_864 : vector<1x416x512xf32> to vector<416x512xf32>
    %dot_general3A_866 = arith.constant dense<0.000000e+00> : vector<1024x512xf32>
    %dot_general3A_867 = tpu.matmul %get3A_643, %get3A_865, %dot_general3A_866 {dimension_numbers = #tpu.dot_dimension_numbers<[1], [0], [0], [1], [0, 0, 1, 1], [], []>, transpose_lhs_hint = false} : vector<1024x416xf32>, vector<416x512xf32>, vector<1024x512xf32> -> vector<1024x512xf32>
    %get3A_868 = arith.constant 10 : index
    %get3A_869 = arith.constant 0 : index
    %get3A_870 = vector.load %arg8[%get3A_868, %get3A_869] : memref<16x512xf32, #tpu.memory_space<vmem>>, vector<1x512xf32>
    %add3A_871 = vector.broadcast %get3A_870 : vector<1x512xf32> to vector<1024x512xf32>
    %add3A_872 = arith.addf %dot_general3A_867, %add3A_871 : vector<1024x512xf32>
    %max3A_873 = arith.constant 0.000000e+00 : f32
    %max3A_874 = vector.broadcast %max3A_873 : f32 to vector<1024x512xf32>
    %max3A_875 = arith.maximumf %add3A_872, %max3A_874 : vector<1024x512xf32>
    %get3A_876 = arith.constant 5120 : index
    %get3A_877 = arith.constant 0 : index
    %get3A_878 = vector.load %arg9[%get3A_876, %get3A_877] : memref<8192x16xf32, #tpu.memory_space<vmem>>, vector<512x16xf32>
    %dot_general3A_879 = arith.constant dense<0.000000e+00> : vector<1024x16xf32>
    %dot_general3A_880 = tpu.matmul %max3A_875, %get3A_878, %dot_general3A_879 {dimension_numbers = #tpu.dot_dimension_numbers<[1], [0], [0], [1], [0, 0, 1, 1], [], []>, transpose_lhs_hint = false} : vector<1024x512xf32>, vector<512x16xf32>, vector<1024x16xf32> -> vector<1024x16xf32>
    %add3A_881 = arith.addf %add3A_860, %dot_general3A_880 : vector<1024x16xf32>
    %get3A_882 = arith.constant 11 : index
    %get3A_883 = arith.constant 0 : index
    %get3A_884 = arith.constant 0 : index
    %get3A_885 = vector.load %arg7[%get3A_882, %get3A_883, %get3A_884] : memref<16x416x512xf32, #tpu.memory_space<vmem>>, vector<1x416x512xf32>
    %get3A_886 = vector.shape_cast %get3A_885 : vector<1x416x512xf32> to vector<416x512xf32>
    %dot_general3A_887 = arith.constant dense<0.000000e+00> : vector<1024x512xf32>
    %dot_general3A_888 = tpu.matmul %get3A_643, %get3A_886, %dot_general3A_887 {dimension_numbers = #tpu.dot_dimension_numbers<[1], [0], [0], [1], [0, 0, 1, 1], [], []>, transpose_lhs_hint = false} : vector<1024x416xf32>, vector<416x512xf32>, vector<1024x512xf32> -> vector<1024x512xf32>
    %get3A_889 = arith.constant 11 : index
    %get3A_890 = arith.constant 0 : index
    %get3A_891 = vector.load %arg8[%get3A_889, %get3A_890] : memref<16x512xf32, #tpu.memory_space<vmem>>, vector<1x512xf32>
    %add3A_892 = vector.broadcast %get3A_891 : vector<1x512xf32> to vector<1024x512xf32>
    %add3A_893 = arith.addf %dot_general3A_888, %add3A_892 : vector<1024x512xf32>
    %max3A_894 = arith.constant 0.000000e+00 : f32
    %max3A_895 = vector.broadcast %max3A_894 : f32 to vector<1024x512xf32>
    %max3A_896 = arith.maximumf %add3A_893, %max3A_895 : vector<1024x512xf32>
    %get3A_897 = arith.constant 5632 : index
    %get3A_898 = arith.constant 0 : index
    %get3A_899 = vector.load %arg9[%get3A_897, %get3A_898] : memref<8192x16xf32, #tpu.memory_space<vmem>>, vector<512x16xf32>
    %dot_general3A_900 = arith.constant dense<0.000000e+00> : vector<1024x16xf32>
    %dot_general3A_901 = tpu.matmul %max3A_896, %get3A_899, %dot_general3A_900 {dimension_numbers = #tpu.dot_dimension_numbers<[1], [0], [0], [1], [0, 0, 1, 1], [], []>, transpose_lhs_hint = false} : vector<1024x512xf32>, vector<512x16xf32>, vector<1024x16xf32> -> vector<1024x16xf32>
    %add3A_902 = arith.addf %add3A_881, %dot_general3A_901 : vector<1024x16xf32>
    %get3A_903 = arith.constant 12 : index
    %get3A_904 = arith.constant 0 : index
    %get3A_905 = arith.constant 0 : index
    %get3A_906 = vector.load %arg7[%get3A_903, %get3A_904, %get3A_905] : memref<16x416x512xf32, #tpu.memory_space<vmem>>, vector<1x416x512xf32>
    %get3A_907 = vector.shape_cast %get3A_906 : vector<1x416x512xf32> to vector<416x512xf32>
    %dot_general3A_908 = arith.constant dense<0.000000e+00> : vector<1024x512xf32>
    %dot_general3A_909 = tpu.matmul %get3A_643, %get3A_907, %dot_general3A_908 {dimension_numbers = #tpu.dot_dimension_numbers<[1], [0], [0], [1], [0, 0, 1, 1], [], []>, transpose_lhs_hint = false} : vector<1024x416xf32>, vector<416x512xf32>, vector<1024x512xf32> -> vector<1024x512xf32>
    %get3A_910 = arith.constant 12 : index
    %get3A_911 = arith.constant 0 : index
    %get3A_912 = vector.load %arg8[%get3A_910, %get3A_911] : memref<16x512xf32, #tpu.memory_space<vmem>>, vector<1x512xf32>
    %add3A_913 = vector.broadcast %get3A_912 : vector<1x512xf32> to vector<1024x512xf32>
    %add3A_914 = arith.addf %dot_general3A_909, %add3A_913 : vector<1024x512xf32>
    %max3A_915 = arith.constant 0.000000e+00 : f32
    %max3A_916 = vector.broadcast %max3A_915 : f32 to vector<1024x512xf32>
    %max3A_917 = arith.maximumf %add3A_914, %max3A_916 : vector<1024x512xf32>
    %get3A_918 = arith.constant 6144 : index
    %get3A_919 = arith.constant 0 : index
    %get3A_920 = vector.load %arg9[%get3A_918, %get3A_919] : memref<8192x16xf32, #tpu.memory_space<vmem>>, vector<512x16xf32>
    %dot_general3A_921 = arith.constant dense<0.000000e+00> : vector<1024x16xf32>
    %dot_general3A_922 = tpu.matmul %max3A_917, %get3A_920, %dot_general3A_921 {dimension_numbers = #tpu.dot_dimension_numbers<[1], [0], [0], [1], [0, 0, 1, 1], [], []>, transpose_lhs_hint = false} : vector<1024x512xf32>, vector<512x16xf32>, vector<1024x16xf32> -> vector<1024x16xf32>
    %add3A_923 = arith.addf %add3A_902, %dot_general3A_922 : vector<1024x16xf32>
    %get3A_924 = arith.constant 13 : index
    %get3A_925 = arith.constant 0 : index
    %get3A_926 = arith.constant 0 : index
    %get3A_927 = vector.load %arg7[%get3A_924, %get3A_925, %get3A_926] : memref<16x416x512xf32, #tpu.memory_space<vmem>>, vector<1x416x512xf32>
    %get3A_928 = vector.shape_cast %get3A_927 : vector<1x416x512xf32> to vector<416x512xf32>
    %dot_general3A_929 = arith.constant dense<0.000000e+00> : vector<1024x512xf32>
    %dot_general3A_930 = tpu.matmul %get3A_643, %get3A_928, %dot_general3A_929 {dimension_numbers = #tpu.dot_dimension_numbers<[1], [0], [0], [1], [0, 0, 1, 1], [], []>, transpose_lhs_hint = false} : vector<1024x416xf32>, vector<416x512xf32>, vector<1024x512xf32> -> vector<1024x512xf32>
    %get3A_931 = arith.constant 13 : index
    %get3A_932 = arith.constant 0 : index
    %get3A_933 = vector.load %arg8[%get3A_931, %get3A_932] : memref<16x512xf32, #tpu.memory_space<vmem>>, vector<1x512xf32>
    %add3A_934 = vector.broadcast %get3A_933 : vector<1x512xf32> to vector<1024x512xf32>
    %add3A_935 = arith.addf %dot_general3A_930, %add3A_934 : vector<1024x512xf32>
    %max3A_936 = arith.constant 0.000000e+00 : f32
    %max3A_937 = vector.broadcast %max3A_936 : f32 to vector<1024x512xf32>
    %max3A_938 = arith.maximumf %add3A_935, %max3A_937 : vector<1024x512xf32>
    %get3A_939 = arith.constant 6656 : index
    %get3A_940 = arith.constant 0 : index
    %get3A_941 = vector.load %arg9[%get3A_939, %get3A_940] : memref<8192x16xf32, #tpu.memory_space<vmem>>, vector<512x16xf32>
    %dot_general3A_942 = arith.constant dense<0.000000e+00> : vector<1024x16xf32>
    %dot_general3A_943 = tpu.matmul %max3A_938, %get3A_941, %dot_general3A_942 {dimension_numbers = #tpu.dot_dimension_numbers<[1], [0], [0], [1], [0, 0, 1, 1], [], []>, transpose_lhs_hint = false} : vector<1024x512xf32>, vector<512x16xf32>, vector<1024x16xf32> -> vector<1024x16xf32>
    %add3A_944 = arith.addf %add3A_923, %dot_general3A_943 : vector<1024x16xf32>
    %get3A_945 = arith.constant 14 : index
    %get3A_946 = arith.constant 0 : index
    %get3A_947 = arith.constant 0 : index
    %get3A_948 = vector.load %arg7[%get3A_945, %get3A_946, %get3A_947] : memref<16x416x512xf32, #tpu.memory_space<vmem>>, vector<1x416x512xf32>
    %get3A_949 = vector.shape_cast %get3A_948 : vector<1x416x512xf32> to vector<416x512xf32>
    %dot_general3A_950 = arith.constant dense<0.000000e+00> : vector<1024x512xf32>
    %dot_general3A_951 = tpu.matmul %get3A_643, %get3A_949, %dot_general3A_950 {dimension_numbers = #tpu.dot_dimension_numbers<[1], [0], [0], [1], [0, 0, 1, 1], [], []>, transpose_lhs_hint = false} : vector<1024x416xf32>, vector<416x512xf32>, vector<1024x512xf32> -> vector<1024x512xf32>
    %get3A_952 = arith.constant 14 : index
    %get3A_953 = arith.constant 0 : index
    %get3A_954 = vector.load %arg8[%get3A_952, %get3A_953] : memref<16x512xf32, #tpu.memory_space<vmem>>, vector<1x512xf32>
    %add3A_955 = vector.broadcast %get3A_954 : vector<1x512xf32> to vector<1024x512xf32>
    %add3A_956 = arith.addf %dot_general3A_951, %add3A_955 : vector<1024x512xf32>
    %max3A_957 = arith.constant 0.000000e+00 : f32
    %max3A_958 = vector.broadcast %max3A_957 : f32 to vector<1024x512xf32>
    %max3A_959 = arith.maximumf %add3A_956, %max3A_958 : vector<1024x512xf32>
    %get3A_960 = arith.constant 7168 : index
    %get3A_961 = arith.constant 0 : index
    %get3A_962 = vector.load %arg9[%get3A_960, %get3A_961] : memref<8192x16xf32, #tpu.memory_space<vmem>>, vector<512x16xf32>
    %dot_general3A_963 = arith.constant dense<0.000000e+00> : vector<1024x16xf32>
    %dot_general3A_964 = tpu.matmul %max3A_959, %get3A_962, %dot_general3A_963 {dimension_numbers = #tpu.dot_dimension_numbers<[1], [0], [0], [1], [0, 0, 1, 1], [], []>, transpose_lhs_hint = false} : vector<1024x512xf32>, vector<512x16xf32>, vector<1024x16xf32> -> vector<1024x16xf32>
    %add3A_965 = arith.addf %add3A_944, %dot_general3A_964 : vector<1024x16xf32>
    %get3A_966 = arith.constant 15 : index
    %get3A_967 = arith.constant 0 : index
    %get3A_968 = arith.constant 0 : index
    %get3A_969 = vector.load %arg7[%get3A_966, %get3A_967, %get3A_968] : memref<16x416x512xf32, #tpu.memory_space<vmem>>, vector<1x416x512xf32>
    %get3A_970 = vector.shape_cast %get3A_969 : vector<1x416x512xf32> to vector<416x512xf32>
    %dot_general3A_971 = arith.constant dense<0.000000e+00> : vector<1024x512xf32>
    %dot_general3A_972 = tpu.matmul %get3A_643, %get3A_970, %dot_general3A_971 {dimension_numbers = #tpu.dot_dimension_numbers<[1], [0], [0], [1], [0, 0, 1, 1], [], []>, transpose_lhs_hint = false} : vector<1024x416xf32>, vector<416x512xf32>, vector<1024x512xf32> -> vector<1024x512xf32>
    %get3A_973 = arith.constant 15 : index
    %get3A_974 = arith.constant 0 : index
    %get3A_975 = vector.load %arg8[%get3A_973, %get3A_974] : memref<16x512xf32, #tpu.memory_space<vmem>>, vector<1x512xf32>
    %add3A_976 = vector.broadcast %get3A_975 : vector<1x512xf32> to vector<1024x512xf32>
    %add3A_977 = arith.addf %dot_general3A_972, %add3A_976 : vector<1024x512xf32>
    %max3A_978 = arith.constant 0.000000e+00 : f32
    %max3A_979 = vector.broadcast %max3A_978 : f32 to vector<1024x512xf32>
    %max3A_980 = arith.maximumf %add3A_977, %max3A_979 : vector<1024x512xf32>
    %get3A_981 = arith.constant 7680 : index
    %get3A_982 = arith.constant 0 : index
    %get3A_983 = vector.load %arg9[%get3A_981, %get3A_982] : memref<8192x16xf32, #tpu.memory_space<vmem>>, vector<512x16xf32>
    %dot_general3A_984 = arith.constant dense<0.000000e+00> : vector<1024x16xf32>
    %dot_general3A_985 = tpu.matmul %max3A_980, %get3A_983, %dot_general3A_984 {dimension_numbers = #tpu.dot_dimension_numbers<[1], [0], [0], [1], [0, 0, 1, 1], [], []>, transpose_lhs_hint = false} : vector<1024x512xf32>, vector<512x16xf32>, vector<1024x16xf32> -> vector<1024x16xf32>
    %add3A_986 = arith.addf %add3A_965, %dot_general3A_985 : vector<1024x16xf32>
    %mul3A_987 = arith.mulf %transpose3A_613, %add3A_986 : vector<1024x16xf32>
    %broadcast_in_dim3A_988 = arith.constant 1.000000e+00 : f32
    %broadcast_in_dim3A_989 = vector.broadcast %broadcast_in_dim3A_988 : f32 to vector<16x1xf32>
    %dot_general3A_990 = arith.constant dense<0.000000e+00> : vector<1024x1xf32>
    %dot_general3A_991 = tpu.matmul %mul3A_987, %broadcast_in_dim3A_989, %dot_general3A_990 {dimension_numbers = #tpu.dot_dimension_numbers<[1], [0], [0], [1], [0, 0, 1, 1], [], []>, transpose_lhs_hint = false} : vector<1024x16xf32>, vector<16x1xf32>, vector<1024x1xf32> -> vector<1024x1xf32>
    %swap3A_992 = arith.constant 0 : index
    %swap3A_993 = arith.constant 0 : index
    %swap3A_994 = vector.load %arg11[%swap3A_992, %swap3A_993] : memref<1024x1xf32, #tpu.memory_space<vmem>>, vector<1024x1xf32>
    tpu.vector_store %arg11[%swap3A_992, %swap3A_993], %dot_general3A_991 {strides = array<i32>} : memref<1024x1xf32, #tpu.memory_space<vmem>>, vector<1024x1xf32>,
    %eq3A_995 = arith.constant 3 : i32
    %eq3A_996 = arith.cmpi eq, %arg0, %eq3A_995 : i32
    %convert_element_type3A_997 = arith.extui %eq3A_996 : i1 to i32
    %cond3A_998 = arith.constant 0 : i32
    %cond3A_999 = arith.cmpi ne, %convert_element_type3A_997, %cond3A_998 : i32
    scf.if %cond3A_999 {
      %get3A_1000 = arith.constant 0 : index
      %get3A_1001 = arith.constant 0 : index
      %get3A_1002 = vector.load %arg14[%get3A_1000, %get3A_1001] : memref<16x1xf32, #tpu.memory_space<vmem>>, vector<16x1xf32>
      %reduce_sum3A_1003 = arith.constant dense<0.000000e+00> : vector<1xf32>
      %reduce_sum3A_1004 = vector.multi_reduction <add>, %get3A_1002, %reduce_sum3A_1003 [0] : vector<16x1xf32> to vector<1xf32>
      %broadcast_in_dim3A_1005 = vector.shape_cast %reduce_sum3A_1004 : vector<1xf32> to vector<1x1xf32>
      %div3A_1006 = arith.constant 1.600000e+01 : f32
      %div3A_1007 = vector.broadcast %div3A_1006 : f32 to vector<1x1xf32>
      %div3A_1008 = arith.divf %broadcast_in_dim3A_1005, %div3A_1007 : vector<1x1xf32>
      %sub3A_1009 = vector.broadcast %div3A_1008 : vector<1x1xf32> to vector<16x1xf32>
      %sub3A_1010 = arith.subf %get3A_1002, %sub3A_1009 : vector<16x1xf32>
      %integer_pow3A = arith.mulf %sub3A_1010, %sub3A_1010 : vector<16x1xf32>
      %reduce_sum3A_1011 = arith.constant dense<0.000000e+00> : vector<1xf32>
      %reduce_sum3A_1012 = vector.multi_reduction <add>, %integer_pow3A, %reduce_sum3A_1011 [0] : vector<16x1xf32> to vector<1xf32>
      %broadcast_in_dim3A_1013 = vector.shape_cast %reduce_sum3A_1012 : vector<1xf32> to vector<1x1xf32>
      %div3A_1014 = arith.constant 1.500000e+01 : f32
      %div3A_1015 = vector.broadcast %div3A_1014 : f32 to vector<1x1xf32>
      %div3A_1016 = arith.divf %broadcast_in_dim3A_1013, %div3A_1015 : vector<1x1xf32>
      %mul3A_1017 = arith.mulf %div3A_1008, %div3A_1008 : vector<1x1xf32>
      %add3A_1018 = arith.constant 1.000000e-10 : f32
      %add3A_1019 = vector.broadcast %add3A_1018 : f32 to vector<1x1xf32>
      %add3A_1020 = arith.addf %mul3A_1017, %add3A_1019 : vector<1x1xf32>
      %div3A_1021 = arith.divf %div3A_1016, %add3A_1020 : vector<1x1xf32>
      %swap3A_1022 = arith.constant 0 : index
      %swap3A_1023 = arith.constant 0 : index
      %swap3A_1024 = vector.load %arg12[%swap3A_1022, %swap3A_1023] : memref<1x1xf32, #tpu.memory_space<vmem>>, vector<1x1xf32>
      tpu.vector_store %arg12[%swap3A_1022, %swap3A_1023], %div3A_1021 {strides = array<i32>} : memref<1x1xf32, #tpu.memory_space<vmem>>, vector<1x1xf32>,
      %get3A_1025 = arith.constant 0 : index
      %get3A_1026 = arith.constant 0 : index
      %get3A_1027 = vector.load %arg15[%get3A_1025, %get3A_1026] : memref<1x1xf32, #tpu.memory_space<vmem>>, vector<1x1xf32>
      %div3A_1028 = arith.constant 4.096000e+03 : f32
      %div3A_1029 = vector.broadcast %div3A_1028 : f32 to vector<1x1xf32>
      %div3A_1030 = arith.divf %get3A_1027, %div3A_1029 : vector<1x1xf32>
      %swap3A_1031 = arith.constant 0 : index
      %swap3A_1032 = arith.constant 0 : index
      %swap3A_1033 = vector.load %arg13[%swap3A_1031, %swap3A_1032] : memref<1x1xf32, #tpu.memory_space<vmem>>, vector<1x1xf32>
      tpu.vector_store %arg13[%swap3A_1031, %swap3A_1032], %div3A_1030 {strides = array<i32>} : memref<1x1xf32, #tpu.memory_space<vmem>>, vector<1x1xf32>,
    } else {
    }
    return
  }
  func.func @transform_0(%arg0: i32) -> (i32, i32) {
    %c0_i32 = arith.constant 0 : i32
    %c0_i32_0 = arith.constant 0 : i32
    return %arg0, %c0_i32 : i32, i32
  }
  func.func @transform_1(%arg0: i32) -> (i32, i32) {
    %c0_i32 = arith.constant 0 : i32
    %c0_i32_0 = arith.constant 0 : i32
    return %arg0, %c0_i32 : i32, i32
  }
  func.func @transform_2(%arg0: i32) -> (i32, i32) {
    %c0_i32 = arith.constant 0 : i32
    %c0_i32_0 = arith.constant 0 : i32
    %c0_i32_1 = arith.constant 0 : i32
    return %c0_i32, %c0_i32_0 : i32, i32
  }
  func.func @transform_3(%arg0: i32) -> (i32, i32) {
    %c0_i32 = arith.constant 0 : i32
    %c0_i32_0 = arith.constant 0 : i32
    %c0_i32_1 = arith.constant 0 : i32
    return %c0_i32, %c0_i32_0 : i32, i32
  }
  func.func @transform_4(%arg0: i32) -> (i32, i32) {
    %c0_i32 = arith.constant 0 : i32
    %c0_i32_0 = arith.constant 0 : i32
    %c0_i32_1 = arith.constant 0 : i32
    return %c0_i32, %c0_i32_0 : i32, i32
  }
  func.func @transform_5(%arg0: i32) -> (i32, i32) {
    %c0_i32 = arith.constant 0 : i32
    %c0_i32_0 = arith.constant 0 : i32
    %c0_i32_1 = arith.constant 0 : i32
    return %c0_i32, %c0_i32_0 : i32, i32
  }
  func.func @transform_6(%arg0: i32) -> (i32, i32, i32) {
    %c0_i32 = arith.constant 0 : i32
    %c0_i32_0 = arith.constant 0 : i32
    %c0_i32_1 = arith.constant 0 : i32
    %c0_i32_2 = arith.constant 0 : i32
    return %c0_i32, %c0_i32_0, %c0_i32_1 : i32, i32, i32
  }
  func.func @transform_7(%arg0: i32) -> (i32, i32) {
    %c0_i32 = arith.constant 0 : i32
    %c0_i32_0 = arith.constant 0 : i32
    %c0_i32_1 = arith.constant 0 : i32
    return %c0_i32, %c0_i32_0 : i32, i32
  }
  func.func @transform_8(%arg0: i32) -> (i32, i32) {
    %c0_i32 = arith.constant 0 : i32
    %c0_i32_0 = arith.constant 0 : i32
    %c0_i32_1 = arith.constant 0 : i32
    return %c0_i32, %c0_i32_0 : i32, i32
  }
  func.func @transform_9(%arg0: i32) -> (i32, i32) {
    %c0_i32 = arith.constant 0 : i32
    %c0_i32_0 = arith.constant 0 : i32
    %c0_i32_1 = arith.constant 0 : i32
    return %c0_i32, %c0_i32_0 : i32, i32
  }
  func.func @transform_10(%arg0: i32) -> (i32, i32) {
    %c0_i32 = arith.constant 0 : i32
    %c0_i32_0 = arith.constant 0 : i32
    return %arg0, %c0_i32 : i32, i32
  }
  func.func @transform_11(%arg0: i32) -> (i32, i32) {
    %c0_i32 = arith.constant 0 : i32
    %c0_i32_0 = arith.constant 0 : i32
    %c0_i32_1 = arith.constant 0 : i32
    return %c0_i32, %c0_i32_0 : i32, i32
  }
  func.func @transform_12(%arg0: i32) -> (i32, i32) {
    %c0_i32 = arith.constant 0 : i32
    %c0_i32_0 = arith.constant 0 : i32
    %c0_i32_1 = arith.constant 0 : i32
    return %c0_i32, %c0_i32_0 : i32, i32
  }
}

</mosaic_0001>

<sc_bundles>
// kernel: kernel.5.cloned.1.call-start
scs
__scs_entry_jumppad:
0x0: {  	(pc) =	sbr.rel $0x88, $3  }
0x1: {  	(tag) =	ssettag $0x0;
	lr =	simm.s32 $0x1  }
0x2: {  	[smem:$0x3F95] =	sst lr;
	_ =	strace $0xD0000000  }
0x3: {  	_ = 	snop  }
0x4: {  	_ = 	snop  }
0x5: {  	_ = 	snop  }
0x6: {  	_ = 	snop  }
0x7: {  	_ = 	snop  }
__scs_overlays_trampoline_lowered:
0x8: {  	[smem:$0x3FA4] =	sst s0  }
0x9: {  	[smem:$0x3FA5] =	sst s1  }
0xa: {  	[smem:$0x3FA6] =	sst s2  }
0xb: {  	[smem:$0x3FA7] =	sst s3  }
0xc: {  	[smem:$0x3FA8] =	sst s4  }
0xd: {  	[smem:$0x3FA9] =	sst s5  }
0xe: {  	[smem:$0x3FAA] =	sst s6  }
0xf: {  	[smem:$0x3FAB] =	sst s7  }
0x10: {  	[smem:$0x3FAC] =	sst s8  }
0x11: {  	[smem:$0x3FAD] =	sst s9;
	s0 =	simm.s32 @!p0 $0x0  }
0x12: {  	s1 =	sld [smem:$0x3F93];
	s0 =	simm.s32 @p0 $0x1  }
0x13: {  	[smem:$0x3FAE] =	sst s0;
	s0 =	simm.s32 @!p1 $0x0  }
0x14: {  	s2 =	sld [smem:$0x3F92];
	s0 =	simm.s32 @p1 $0x1  }
0x15: {  	[smem:$0x3FAF] =	sst s0;
	s0 =	simm.s32 @!p2 $0x0  }
0x16: {  	s3 =	sld [smem:$0x3FDB];
	s0 =	simm.s32 @p2 $0x1  }
0x17: {  	s4 =	simm.s32 $0x1BF5;
	[smem:$0x3FB1] =	sst s0  }
0x18: {  	s0 =	sld [smem:$0x3F94];
	_ =	swait.ge [sflag:s4], $0x0  }
0x19: {  	s7 =	sld [smem:$0x3F95]  }
0x1a: {  	s8 =	sadd.s32 $0xFFFFE003, lr  }
0x1b: {  	s9 =	sadd.s32 $0xFFFFFEF7, lr;
	s5 =	simm.s32 $0xFFFFFFFF;
	p2 =	slt.u32 s8, $0xFFFFF086  }
0x1c: {  	p1 =	slt.u32 s9, $0xF7A;
	s5 =	simm.s32 @!p2 $0x0  }
0x1d: {  	s5 =	simm.s32 @p1 $0x1;
	p0 =	seq.s32 s7, s2  }
0x1e: {  	s7 =	smul.u32 @!p0 $0xF7A, s2;
	p2 =	seq.s32 @!p0 s5, $0x0  }
0x1f: {  	s9 =	smul.u32 $0xF7A, s1;
	s8 =	simm.s32 @!p0 $0x1BF5;
	p2 =	por !p2, p0  }
0x20: {  	[sflag:s8] =	ssyncset.s32 @!p0 $0xFFFFF086;
	s6 =	sadd.s32 @!p0 s3, s7;
	s7 =	simm.s32 @!p0 $0x108  }
0x21: {  	s3 =	sadd.s32 s3, s9;
	s6 =	sadd.s32 @!p0 $0x88, s6;
	s7 =	simm.s32 @p2 $0x1082  }
0x22: {  	[simem:s7], [sflag:s8] =	dma.local @!p0 [hbm:s6], $0xF7A  }
0x23: {  	s9 =	sor.u32 $0xD0000000, s2;
	s6 =	simm.s32 $0x108;
	_ =	swait.ge @!p0 [sflag:s8], $0x0  }
0x24: {  	s3 =	sadd.s32 $0x88, s3;
	s6 =	simm.s32 @!p1 $0x1082;
	[sflag:s4] =	ssyncset.s32 $0xFFFFF086  }
0x25: {  	[simem:s6], [sflag:s4] =	dma.local [hbm:s3], $0xF7A  }
0x26: {  	[smem:$0x3F95] =	sst s1;
	(tag) =	ssettag s2;
	_ =	strace s9  }
0x27: {  	s1 =	sld [smem:$0x3FA5]  }
0x28: {  	s2 =	sld [smem:$0x3FA6]  }
0x29: {  	s4 =	sld [smem:$0x3FA8]  }
0x2a: {  	p0 =	seq.s32 s5, $0x0;
	s5 =	sld [smem:$0x3FA9]  }
0x2b: {  	s6 =	sld [smem:$0x3FAA]  }
0x2c: {  	s7 =	sld [smem:$0x3FAB]  }
0x2d: {  	s3 =	simm.s32 $0x108;
	s8 =	sld [smem:$0x3FAC]  }
0x2e: {  	s3 =	simm.s32 @!p0 $0x1082;
	s9 =	sld [smem:$0x3FAD]  }
0x2f: {  	lr =	sadd.s32 s0, s3;
	s0 =	sld [smem:$0x3FA4]  }
0x30: {  	s3 =	sld [smem:$0x3FA7]  }
0x31: {  	[smem:$0x3FB0] =	sst s10  }
0x32: {  	s10 =	sld [smem:$0x3FAE];
	_ =	sdelay $0x3  }
0x33: {  	p0 =	seq.s32 s10, $0x1;
	s10 =	sld [smem:$0x3FB0];
	_ =	sdelay $0x3  }
0x34: {  	[smem:$0x3FB0] =	sst s10  }
0x35: {  	s10 =	sld [smem:$0x3FAF];
	_ =	sdelay $0x3  }
0x36: {  	p1 =	seq.s32 s10, $0x1;
	s10 =	sld [smem:$0x3FB0];
	_ =	sdelay $0x3  }
0x37: {  	[smem:$0x3FB0] =	sst s10  }
0x38: {  	s10 =	sld [smem:$0x3FB1]  }
0x39: {  	_ = 	snop;
	(pc) =	sbr.ind lr, $3  }
0x3a: {  	_ = 	snop  }
0x3b: {  	_ = 	snop  }
0x3c: {  	p2 =	seq.s32 s10, $0x1;
	s10 =	sld [smem:$0x3FB0]  }
0x3d: {  	_ =	shalt  }
0x3e: {  	_ =	shalt  }
0x3f: {  	_ =	shalt  }
0x40: {  	_ =	shalt  }
0x41: {  	_ =	shalt  }
0x42: {  	_ =	shalt  }
0x43: {  	_ =	shalt  }
0x44: {  	_ =	shalt  }
0x45: {  	_ =	shalt  }
0x46: {  	_ =	shalt  }
0x47: {  	_ =	shalt  }
0x48: {  	_ =	shalt  }
0x49: {  	_ =	shalt  }
0x4a: {  	_ =	shalt  }
0x4b: {  	_ =	shalt  }
0x4c: {  	_ =	shalt  }
0x4d: {  	_ =	shalt  }
0x4e: {  	_ =	shalt  }
0x4f: {  	_ =	shalt  }
0x50: {  	_ =	shalt  }
0x51: {  	_ =	shalt  }
0x52: {  	_ =	shalt  }
0x53: {  	_ =	shalt  }
0x54: {  	_ =	shalt  }
0x55: {  	_ =	shalt  }
0x56: {  	_ =	shalt  }
0x57: {  	_ =	shalt  }
0x58: {  	_ =	shalt  }
0x59: {  	_ =	shalt  }
0x5a: {  	_ =	shalt  }
0x5b: {  	_ =	shalt  }
0x5c: {  	_ =	shalt  }
0x5d: {  	_ =	shalt  }
0x5e: {  	_ =	shalt  }
0x5f: {  	_ =	shalt  }
0x60: {  	_ =	shalt  }
0x61: {  	_ =	shalt  }
0x62: {  	_ =	shalt  }
0x63: {  	_ =	shalt  }
0x64: {  	_ =	shalt  }
0x65: {  	_ =	shalt  }
0x66: {  	_ =	shalt  }
0x67: {  	_ =	shalt  }
0x68: {  	_ =	shalt  }
0x69: {  	_ =	shalt  }
0x6a: {  	_ =	shalt  }
0x6b: {  	_ =	shalt  }
0x6c: {  	_ =	shalt  }
0x6d: {  	_ =	shalt  }
0x6e: {  	_ =	shalt  }
0x6f: {  	_ =	shalt  }
0x70: {  	_ =	shalt  }
0x71: {  	_ =	shalt  }
0x72: {  	_ =	shalt  }
0x73: {  	_ =	shalt  }
0x74: {  	_ =	shalt  }
0x75: {  	_ =	shalt  }
0x76: {  	_ =	shalt  }
0x77: {  	_ =	shalt  }
0x78: {  	_ =	shalt  }
0x79: {  	_ =	shalt  }
0x7a: {  	_ =	shalt  }
0x7b: {  	_ =	shalt  }
0x7c: {  	_ =	shalt  }
0x7d: {  	_ =	shalt  }
0x7e: {  	_ =	shalt  }
0x7f: {  	_ =	shalt  }
0x80: {  	_ =	shalt  }
0x81: {  	_ =	shalt  }
0x82: {  	_ =	shalt  }
0x83: {  	_ =	shalt  }
0x84: {  	_ =	shalt  }
0x85: {  	_ =	shalt  }
0x86: {  	_ =	shalt  }
0x87: {  	_ =	shalt  }
.Lfunc_end0:
.L_simem_size_0:
called_computation_lowered:
.L_overlay_start_0:
0x88: {  	s2 =	sld [smem:$0x3FD9]  }
0x89: {  	s3 =	sld [smem:$0x3FFE];
	_ =	sdelay $0x1  }
0x8a: {  	s1 =	srdreg.scid  }
0x8b: {  	s0 =	sand.u32 $0x1, s1  }
0x8c: {  	s16 =	sshll.u32 s0, $0xA;
	s2 =	sadd.s32 s3, s2  }
0x8d: {  	s2 =	sadd.s32 s2, s16  }
0x8e: {  	[smem:$0x3FBC] =	sst s2  }
0x8f: {  	_ = 	snop  }
0x90: {  	(tm) =	ssettm $0x1  }
0x91: {  	s17 =	sld [smem:$0x3FFB];
	_ =	sdelay $0x3  }
0x92: {  	_ =	strace s17  }
0x93: {  	s2 =	sld [smem:$0x3FFC];
	_ =	sdelay $0x3  }
0x94: {  	_ =	strace s2  }
0x95: {  	s2 =	sld [smem:$0x3FFD];
	_ =	sdelay $0x3  }
0x96: {  	_ =	strace s2  }
0x97: {  	_ =	strace $0x8FFFFFFF  }
0x98: {  	s18 =	sld [smem:$0x3FDB];
	_ =	sdelay $0x1  }
0x99: {  	s19 =	simm.s32 $_scs_section_size  }
0x9a: {  	s4 =	simm.s32 $_size__tile_overlayer_lowered;
	s5 =	simm.s32 $_tile_overlayer_lowered  }
0x9b: {  	s22 =	simm.s32 $0x1BFF;
	s21 =	sshll.u32 s5, $0x1;
	s2 =	sadd.s32 s19, s18  }
0x9c: {  	s6 =	simm.s32 $0x0;
	s20 =	sshll.u32 s4, $0x1;
	s4 =	sadd.s32 s21, s2  }
0x9d: {  	[timem:s6], [sflag:s22] =	dma.local [hbm:s4], s20  }
0x9e: {  	_ =	swait.ge [sflag:s22], s20  }
0x9f: {  	s3 =	ssub.s32 $0x0, s20;
	[sflag:s22] =	ssyncset.done $0x0  }
0xa0: {  	[sflag:s22] =	ssyncadd.s32 s3;
	_ =	sdelay $0x1  }
0xa1: {  	s23 =	simm.s32 $0x1B8B  }
0xa2: {  	_ =	swait.ge [sflag:s23], $0x1  }
0xa3: {  	[sflag:s23] =	ssyncset.done $0x0  }
0xa4: {  	s25 =	simm.s32 $0x1B8E;
	s24 =	sld [smem:$0x3FFE];
	[sflag:s23] =	ssyncadd.s32 $0xFFFFFFFF  }
0xa5: {  	s26 =	simm.s32 $execute0_lowered;
	[smem:$0x3FD2] =	sst s25  }
0xa6: {  	s4 =	sshll.u32 s26, $0x1;
	_ =	strace $0x80000046;
	[dreg:$0x1] =	wrdreg $0xFFFFFFFF  }
0xa7: {  	s28 =	simm.s32 $_size_execute0_lowered;
	s2 =	sadd.s32 s2, s4;
	[dreg:$0x0] =	wrdreg $0x0  }
0xa8: {  	s4 =	sshll.u32 s28, $0x1;
	[dreg:$0x2] =	wrdreg s2  }
0xa9: {  	[dreg:$0x3] =	wrdreg s4  }
0xaa: {  	[dreg:$0x4] =	wrdreg $0xC0  }
0xab: {  	_ =	task [dreg:s6], $0x5FFFF  }
0xac: {  	[dreg:$0x1] =	wrdreg $0xFFFFFFFF  }
0xad: {  	[dreg:$0x0] =	wrdreg $0x60  }
0xae: {  	[dreg:$0x2] =	wrdreg s24  }
0xaf: {  	[dreg:$0x3] =	wrdreg $0x9  }
0xb0: {  	_ =	task.clear_ibuf [dreg:s6], $0x4FFFF;
	_ =	strace $0x90000046  }
0xb1: {  	s29 =	simm.s32 $0x9;
	_ =	strace $0x80000048  }
0xb2: {  	_ =	swait.ge [sflag:s29], $0x1  }
0xb3: {  	[sflag:s29] =	ssyncadd.s32 $0xFFFFFFFF  }
0xb4: {  	_ =	strace $0x90000048  }
0xb5: {  	_ =	sfence  }
0xb6: {  	s30 =	sld [smem:$0x0];
	_ =	sdelay $0x2  }
0xb7: {  	s31 =	sshll.u32 s1, $0xD;
	s1 =	sshrl.u32 s1, $0x2  }
0xb8: {  	s3 =	sand.u32 $0x4000, s31;
	s1 =	sadd.s32 s1, s30  }
0xb9: {  	s0 =	sor.u32 s3, s0;
	s1 =	sshll.u32 s1, $0x11  }
0xba: {  	s0 =	sor.u32 s1, s0  }
0xbb: {  	s0 =	sadd.s32 $0x8F2B, s0  }
0xbc: {  	[sflag:s0] =	ssyncadd.remote.s32 $0x1  }
0xbd: {  	_ =	sfence.sel $0xFFFF  }
0xbe: {  	[dreg:$0x0] =	wrdreg $0xFFFFFFFF;
	(pc) =	sbr.abs _section_cstart, $3  }
0xbf: {  	[dreg:$0x1] =	wrdreg $0xFFFFFFFF  }
0xc0: {  	_ =	task.clear_ibuf [dreg:s6], $0x2FFFF;
	_ =	strace $0x9FFFFFFF  }
0xc1: {  	(tm) =	ssettm $0x7FFFFFFF  }
tec
execute0_lowered:
.L_overlay_start_1:
0x0: {  	(tag) =	ssettag $0x1  }
0x1: {  	s1 =	srdreg.scid  }
0x2: {  	s0 =	stileid.u32;
	s5 =	rddreg [dreg:$0x0];
	s2 =	simm.s32 $0x0  }
0x3: {  	s11 =	simm.s32 $0xC400;
	s3 =	sand.u32 $0x1, s1;
	s30 =	sshll.u32 s0, $0x1  }
0x4: {  	s12 =	simm.s32 $0x18800;
	s13 =	simm.s32 $0x0;
	s4 =	sor.u32 s3, s30  }
0x5: {  	s1 =	rddreg [dreg:$0x1];
	s3 =	ssub.s32 $0x2, s3;
	s6 =	smul.u32 $0xC40, s4  }
0x6: {  	[smem:$0x7FF] =	sst s2;
	s4 =	smul.u32 $0x1880, s4;
	s31 =	sshrl.u32 s3, $0x1  }
0x7: {  	_ =	strace $0x80000047;
	s10 =	ssub.s32 s3, s31;
	s7 =	smin.u32 s6, $0x17A60  }
0x8: {  	s6 =	sshrl.u32 s6, $0x3;
	s9 =	sadd.s32 s4, s5;
	s8 =	sshrl.u32 s7, $0x3  }
0x9: {  	s6 =	sadd.s32 s6, s5;
	s7 =	sshll.u32 s7, $0x1;
	s8 =	sadd.s32 s8, s5  }
0xa: {  	s7 =	sadd.s32 s7, s5;
	s5 =	sadd.s32 $0x2A00, s6;
	s6 =	sadd.s32 $0x95600, s9  }
0xb: {  	v0 =	vlaneseq.u32;
	s9 =	simm.s32 $0x186A0;
	s3 =	sadd.s32 $0x33A00, s8;
	s4 =	sadd.s32 $0x64800, s7  }
0xc: {  	v0 =	vmul.u32 $0x10, v0;
	s7 =	smax.u32 s10, $0x1;
	s8 =	simm.s32 $0xC40;
	s10 =	simm.s32 $0x1  }
.LBB2_1:
0xd: {  	[tilespmem:s2], [sflag:$0x1] =	stream.strided.gather [hbm4b:s3+s8], $0xC400, s9, s8, $0x38;
	[tilespmem:$0x18800] =	vst v63  }
0xe: {  	_ =	swait.ge [sflag:s10], $0xC400  }
0xf: {  	v1 =	vmov s2;
	[sflag:s10] =	ssyncset.done $0x0  }
0x10: {  	s16 =	simm.s32 $0x0;
	v1 =	vshll.u32 v1, $0x4;
	[sflag:s10] =	ssyncadd.s32 $0xFFFF3C00  }
0x11: {  	v1 =	vor.u32 v0, v1;
	v2 =	vld [tilespmem:s16+$0x0];
	_ =	sdelay $0x4  }
0x12: {  	[tilespmem:v1+s11+$0x0] =	vst.idx.msk $0xffff, v2  }
0x13: {  	v3 =	vor.u32 $0x1, v1;
	v2 =	vld [tilespmem:s16+$0xC40];
	_ =	sdelay $0x4  }
0x14: {  	[tilespmem:v3+s11+$0x0] =	vst.idx.msk $0xffff, v2  }
0x15: {  	v3 =	vor.u32 $0x2, v1;
	v2 =	vld [tilespmem:s16+$0x1880];
	_ =	sdelay $0x4  }
0x16: {  	[tilespmem:v3+s11+$0x0] =	vst.idx.msk $0xffff, v2  }
0x17: {  	v3 =	vor.u32 $0x3, v1;
	v2 =	vld [tilespmem:s16+$0x24C0];
	_ =	sdelay $0x4  }
0x18: {  	[tilespmem:v3+s11+$0x0] =	vst.idx.msk $0xffff, v2  }
0x19: {  	v3 =	vor.u32 $0x4, v1;
	v2 =	vld [tilespmem:s16+$0x3100];
	_ =	sdelay $0x4  }
0x1a: {  	[tilespmem:v3+s11+$0x0] =	vst.idx.msk $0xffff, v2  }
0x1b: {  	v3 =	vor.u32 $0x5, v1;
	v2 =	vld [tilespmem:s16+$0x3D40];
	_ =	sdelay $0x4  }
0x1c: {  	[tilespmem:v3+s11+$0x0] =	vst.idx.msk $0xffff, v2  }
0x1d: {  	v3 =	vor.u32 $0x6, v1;
	v2 =	vld [tilespmem:s16+$0x4980];
	_ =	sdelay $0x4  }
0x1e: {  	[tilespmem:v3+s11+$0x0] =	vst.idx.msk $0xffff, v2  }
0x1f: {  	v3 =	vor.u32 $0x7, v1;
	v2 =	vld [tilespmem:s16+$0x55C0];
	_ =	sdelay $0x4  }
0x20: {  	[tilespmem:v3+s11+$0x0] =	vst.idx.msk $0xffff, v2  }
0x21: {  	v3 =	vor.u32 $0x8, v1;
	v2 =	vld [tilespmem:s16+$0x6200];
	_ =	sdelay $0x4  }
0x22: {  	[tilespmem:v3+s11+$0x0] =	vst.idx.msk $0xffff, v2  }
0x23: {  	v3 =	vor.u32 $0x9, v1;
	v2 =	vld [tilespmem:s16+$0x6E40];
	_ =	sdelay $0x4  }
0x24: {  	[tilespmem:v3+s11+$0x0] =	vst.idx.msk $0xffff, v2  }
0x25: {  	v3 =	vor.u32 $0xA, v1;
	v2 =	vld [tilespmem:s16+$0x7A80];
	_ =	sdelay $0x4  }
0x26: {  	[tilespmem:v3+s11+$0x0] =	vst.idx.msk $0xffff, v2  }
0x27: {  	v3 =	vor.u32 $0xB, v1;
	v2 =	vld [tilespmem:s16+$0x86C0];
	_ =	sdelay $0x4  }
0x28: {  	[tilespmem:v3+s11+$0x0] =	vst.idx.msk $0xffff, v2  }
0x29: {  	v3 =	vor.u32 $0xC, v1;
	v2 =	vld [tilespmem:s16+$0x9300];
	_ =	sdelay $0x4  }
0x2a: {  	[tilespmem:v3+s11+$0x0] =	vst.idx.msk $0xffff, v2  }
0x2b: {  	v3 =	vor.u32 $0xD, v1;
	v2 =	vld [tilespmem:s16+$0x9F40];
	_ =	sdelay $0x4  }
0x2c: {  	[tilespmem:v3+s11+$0x0] =	vst.idx.msk $0xffff, v2  }
0x2d: {  	v3 =	vor.u32 $0xE, v1;
	v2 =	vld [tilespmem:s16+$0xAB80];
	_ =	sdelay $0x4  }
0x2e: {  	[tilespmem:v3+s11+$0x0] =	vst.idx.msk $0xffff, v2  }
0x2f: {  	v1 =	vor.u32 $0xF, v1;
	v2 =	vld [tilespmem:s16+$0xB7C0];
	_ =	sdelay $0x2  }
0x30: {  	s14 =	simm.s32 $0x10  }
0x31: {  	s15 =	simm.s32 $0x40;
	v3 =	vmov s14;
	s16 =	simm.s32 $0x80  }
.LBB2_2:
0x32: {  	p0 =	sne.s32 s16, $0x30C0;
	v3 =	vshll.u32 v3, $0x4;
	s17 =	sshra.s32 s15, $0x2;
	[tilespmem:v1+s11+$0x0] =	vst.idx.msk $0xffff, v2;
	s15 =	smov.u32 s16  }
0x33: {  	v2 =	vld [tilespmem:s17+$0x0];
	v1 =	vor.u32 v0, v3;
	_ =	sdelay $0x4  }
0x34: {  	[tilespmem:v1+s11+$0x0] =	vst.idx.msk $0xffff, v2  }
0x35: {  	v3 =	vor.u32 $0x1, v1;
	v2 =	vld [tilespmem:s17+$0xC40];
	_ =	sdelay $0x4  }
0x36: {  	[tilespmem:v3+s11+$0x0] =	vst.idx.msk $0xffff, v2  }
0x37: {  	v3 =	vor.u32 $0x2, v1;
	v2 =	vld [tilespmem:s17+$0x1880];
	_ =	sdelay $0x4  }
0x38: {  	[tilespmem:v3+s11+$0x0] =	vst.idx.msk $0xffff, v2  }
0x39: {  	v3 =	vor.u32 $0x3, v1;
	v2 =	vld [tilespmem:s17+$0x24C0];
	_ =	sdelay $0x4  }
0x3a: {  	[tilespmem:v3+s11+$0x0] =	vst.idx.msk $0xffff, v2  }
0x3b: {  	v3 =	vor.u32 $0x4, v1;
	v2 =	vld [tilespmem:s17+$0x3100];
	_ =	sdelay $0x4  }
0x3c: {  	[tilespmem:v3+s11+$0x0] =	vst.idx.msk $0xffff, v2  }
0x3d: {  	v3 =	vor.u32 $0x5, v1;
	v2 =	vld [tilespmem:s17+$0x3D40];
	_ =	sdelay $0x4  }
0x3e: {  	[tilespmem:v3+s11+$0x0] =	vst.idx.msk $0xffff, v2  }
0x3f: {  	v3 =	vor.u32 $0x6, v1;
	v2 =	vld [tilespmem:s17+$0x4980];
	_ =	sdelay $0x4  }
0x40: {  	[tilespmem:v3+s11+$0x0] =	vst.idx.msk $0xffff, v2  }
0x41: {  	v3 =	vor.u32 $0x7, v1;
	v2 =	vld [tilespmem:s17+$0x55C0];
	_ =	sdelay $0x4  }
0x42: {  	[tilespmem:v3+s11+$0x0] =	vst.idx.msk $0xffff, v2  }
0x43: {  	v3 =	vor.u32 $0x8, v1;
	v2 =	vld [tilespmem:s17+$0x6200];
	_ =	sdelay $0x4  }
0x44: {  	[tilespmem:v3+s11+$0x0] =	vst.idx.msk $0xffff, v2  }
0x45: {  	v3 =	vor.u32 $0x9, v1;
	v2 =	vld [tilespmem:s17+$0x6E40];
	_ =	sdelay $0x4  }
0x46: {  	[tilespmem:v3+s11+$0x0] =	vst.idx.msk $0xffff, v2  }
0x47: {  	v3 =	vor.u32 $0xA, v1;
	v2 =	vld [tilespmem:s17+$0x7A80];
	_ =	sdelay $0x4  }
0x48: {  	[tilespmem:v3+s11+$0x0] =	vst.idx.msk $0xffff, v2  }
0x49: {  	v3 =	vor.u32 $0xB, v1;
	v2 =	vld [tilespmem:s17+$0x86C0];
	_ =	sdelay $0x4  }
0x4a: {  	[tilespmem:v3+s11+$0x0] =	vst.idx.msk $0xffff, v2  }
0x4b: {  	v3 =	vor.u32 $0xC, v1;
	v2 =	vld [tilespmem:s17+$0x9300];
	_ =	sdelay $0x4  }
0x4c: {  	[tilespmem:v3+s11+$0x0] =	vst.idx.msk $0xffff, v2  }
0x4d: {  	v3 =	vor.u32 $0xD, v1;
	v2 =	vld [tilespmem:s17+$0x9F40];
	_ =	sdelay $0x4  }
0x4e: {  	[tilespmem:v3+s11+$0x0] =	vst.idx.msk $0xffff, v2  }
0x4f: {  	v3 =	vor.u32 $0xE, v1;
	v2 =	vld [tilespmem:s17+$0xAB80];
	_ =	sdelay $0x4  }
0x50: {  	[tilespmem:v3+s11+$0x0] =	vst.idx.msk $0xffff, v2  }
.Ltmp0:
0x51: {  	v1 =	vor.u32 $0xF, v1;
	v2 =	vld [tilespmem:s17+$0xB7C0];
	(pc) =	sbr.rel @p0 .LBB2_2-.Ltmp0, $3  }
0x52: {  	_ =	sdelay $0x1  }
0x53: {  	s14 =	sadd.s32 $0x10, s14  }
0x54: {  	s16 =	sadd.s32 $0x40, s16;
	v3 =	vmov s14  }
0x55: {  	_ =	sdelay $0x3  }
0x56: {  	v3 =	vshll.u32 v3, $0x4;
	s14 =	sshra.s32 s15, $0x2;
	[tilespmem:v1+s11+$0x0] =	vst.idx.msk $0xffff, v2  }
0x57: {  	v1 =	vld [tilespmem:s14+$0x0];
	v2 =	vor.u32 v0, v3;
	_ =	sdelay $0x4  }
0x58: {  	[tilespmem:v2+s11+$0x0] =	vst.idx.msk $0xffff, v1  }
0x59: {  	v3 =	vor.u32 $0x1, v2;
	v1 =	vld [tilespmem:s14+$0xC40];
	_ =	sdelay $0x4  }
0x5a: {  	[tilespmem:v3+s11+$0x0] =	vst.idx.msk $0xffff, v1  }
0x5b: {  	v3 =	vor.u32 $0x2, v2;
	v1 =	vld [tilespmem:s14+$0x1880];
	_ =	sdelay $0x4  }
0x5c: {  	[tilespmem:v3+s11+$0x0] =	vst.idx.msk $0xffff, v1  }
0x5d: {  	v3 =	vor.u32 $0x3, v2;
	v1 =	vld [tilespmem:s14+$0x24C0];
	_ =	sdelay $0x4  }
0x5e: {  	[tilespmem:v3+s11+$0x0] =	vst.idx.msk $0xffff, v1  }
0x5f: {  	v3 =	vor.u32 $0x4, v2;
	v1 =	vld [tilespmem:s14+$0x3100];
	_ =	sdelay $0x4  }
0x60: {  	[tilespmem:v3+s11+$0x0] =	vst.idx.msk $0xffff, v1  }
0x61: {  	v3 =	vor.u32 $0x5, v2;
	v1 =	vld [tilespmem:s14+$0x3D40];
	_ =	sdelay $0x4  }
0x62: {  	[tilespmem:v3+s11+$0x0] =	vst.idx.msk $0xffff, v1  }
0x63: {  	v3 =	vor.u32 $0x6, v2;
	v1 =	vld [tilespmem:s14+$0x4980];
	_ =	sdelay $0x4  }
0x64: {  	[tilespmem:v3+s11+$0x0] =	vst.idx.msk $0xffff, v1  }
0x65: {  	v3 =	vor.u32 $0x7, v2;
	v1 =	vld [tilespmem:s14+$0x55C0];
	_ =	sdelay $0x4  }
0x66: {  	[tilespmem:v3+s11+$0x0] =	vst.idx.msk $0xffff, v1  }
0x67: {  	v3 =	vor.u32 $0x8, v2;
	v1 =	vld [tilespmem:s14+$0x6200];
	_ =	sdelay $0x4  }
0x68: {  	[tilespmem:v3+s11+$0x0] =	vst.idx.msk $0xffff, v1  }
0x69: {  	v3 =	vor.u32 $0x9, v2;
	v1 =	vld [tilespmem:s14+$0x6E40];
	_ =	sdelay $0x4  }
0x6a: {  	[tilespmem:v3+s11+$0x0] =	vst.idx.msk $0xffff, v1  }
0x6b: {  	v3 =	vor.u32 $0xA, v2;
	v1 =	vld [tilespmem:s14+$0x7A80];
	_ =	sdelay $0x4  }
0x6c: {  	[tilespmem:v3+s11+$0x0] =	vst.idx.msk $0xffff, v1  }
0x6d: {  	v3 =	vor.u32 $0xB, v2;
	v1 =	vld [tilespmem:s14+$0x86C0];
	_ =	sdelay $0x4  }
0x6e: {  	[tilespmem:v3+s11+$0x0] =	vst.idx.msk $0xffff, v1  }
0x6f: {  	v3 =	vor.u32 $0xC, v2;
	v1 =	vld [tilespmem:s14+$0x9300];
	_ =	sdelay $0x4  }
0x70: {  	[tilespmem:v3+s11+$0x0] =	vst.idx.msk $0xffff, v1  }
0x71: {  	v3 =	vor.u32 $0xD, v2;
	v1 =	vld [tilespmem:s14+$0x9F40];
	_ =	sdelay $0x4  }
0x72: {  	[tilespmem:v3+s11+$0x0] =	vst.idx.msk $0xffff, v1  }
0x73: {  	v3 =	vor.u32 $0xE, v2;
	v1 =	vld [tilespmem:s14+$0xAB80];
	_ =	sdelay $0x4  }
0x74: {  	[tilespmem:v3+s11+$0x0] =	vst.idx.msk $0xffff, v1  }
0x75: {  	v2 =	vor.u32 $0xF, v2;
	v1 =	vld [tilespmem:s14+$0xB7C0];
	_ =	sdelay $0x4  }
0x76: {  	s31 =	simm.s32 $0x0;
	[tilespmem:v2+s11+$0x0] =	vst.idx.msk $0xffff, v1  }
0x77: {  	[hbm4b:s4+s31] =	stream.linear.scatter [tilespmem:s11], [sflag:$0x1], $0xC400, $0x38;
	[tilespmem:$0x18800] =	vst v63  }
0x78: {  	_ =	swait.ge [sflag:s10], $0xC400  }
0x79: {  	[sflag:s10] =	ssyncset.done $0x0  }
0x7a: {  	[sflag:s10] =	ssyncadd.s32 $0xFFFF3C00  }
0x7b: {  	[tilespmem:s31], [sflag:$0x1] =	stream.strided.gather [hbm4b:s5+s8], $0xC400, s12, s8, $0x38;
	[tilespmem:$0x18800] =	vst v63  }
0x7c: {  	_ =	swait.ge [sflag:s10], $0xC400  }
0x7d: {  	v1 =	vmov s31;
	[sflag:s10] =	ssyncset.done $0x0  }
0x7e: {  	s16 =	simm.s32 $0x0;
	v1 =	vshll.u32 v1, $0x4;
	[sflag:s10] =	ssyncadd.s32 $0xFFFF3C00  }
0x7f: {  	v1 =	vor.u32 v0, v1;
	v2 =	vld [tilespmem:s16+$0x0];
	_ =	sdelay $0x4  }
0x80: {  	[tilespmem:v1+s11+$0x0] =	vst.idx.msk $0xffff, v2  }
0x81: {  	v3 =	vor.u32 $0x1, v1;
	v2 =	vld [tilespmem:s16+$0xC40];
	_ =	sdelay $0x4  }
0x82: {  	[tilespmem:v3+s11+$0x0] =	vst.idx.msk $0xffff, v2  }
0x83: {  	v3 =	vor.u32 $0x2, v1;
	v2 =	vld [tilespmem:s16+$0x1880];
	_ =	sdelay $0x4  }
0x84: {  	[tilespmem:v3+s11+$0x0] =	vst.idx.msk $0xffff, v2  }
0x85: {  	v3 =	vor.u32 $0x3, v1;
	v2 =	vld [tilespmem:s16+$0x24C0];
	_ =	sdelay $0x4  }
0x86: {  	[tilespmem:v3+s11+$0x0] =	vst.idx.msk $0xffff, v2  }
0x87: {  	v3 =	vor.u32 $0x4, v1;
	v2 =	vld [tilespmem:s16+$0x3100];
	_ =	sdelay $0x4  }
0x88: {  	[tilespmem:v3+s11+$0x0] =	vst.idx.msk $0xffff, v2  }
0x89: {  	v3 =	vor.u32 $0x5, v1;
	v2 =	vld [tilespmem:s16+$0x3D40];
	_ =	sdelay $0x4  }
0x8a: {  	[tilespmem:v3+s11+$0x0] =	vst.idx.msk $0xffff, v2  }
0x8b: {  	v3 =	vor.u32 $0x6, v1;
	v2 =	vld [tilespmem:s16+$0x4980];
	_ =	sdelay $0x4  }
0x8c: {  	[tilespmem:v3+s11+$0x0] =	vst.idx.msk $0xffff, v2  }
0x8d: {  	v3 =	vor.u32 $0x7, v1;
	v2 =	vld [tilespmem:s16+$0x55C0];
	_ =	sdelay $0x4  }
0x8e: {  	[tilespmem:v3+s11+$0x0] =	vst.idx.msk $0xffff, v2  }
0x8f: {  	v3 =	vor.u32 $0x8, v1;
	v2 =	vld [tilespmem:s16+$0x6200];
	_ =	sdelay $0x4  }
0x90: {  	[tilespmem:v3+s11+$0x0] =	vst.idx.msk $0xffff, v2  }
0x91: {  	v3 =	vor.u32 $0x9, v1;
	v2 =	vld [tilespmem:s16+$0x6E40];
	_ =	sdelay $0x4  }
0x92: {  	[tilespmem:v3+s11+$0x0] =	vst.idx.msk $0xffff, v2  }
0x93: {  	v3 =	vor.u32 $0xA, v1;
	v2 =	vld [tilespmem:s16+$0x7A80];
	_ =	sdelay $0x4  }
0x94: {  	[tilespmem:v3+s11+$0x0] =	vst.idx.msk $0xffff, v2  }
0x95: {  	v3 =	vor.u32 $0xB, v1;
	v2 =	vld [tilespmem:s16+$0x86C0];
	_ =	sdelay $0x4  }
0x96: {  	[tilespmem:v3+s11+$0x0] =	vst.idx.msk $0xffff, v2  }
0x97: {  	v3 =	vor.u32 $0xC, v1;
	v2 =	vld [tilespmem:s16+$0x9300];
	_ =	sdelay $0x4  }
0x98: {  	[tilespmem:v3+s11+$0x0] =	vst.idx.msk $0xffff, v2  }
0x99: {  	v3 =	vor.u32 $0xD, v1;
	v2 =	vld [tilespmem:s16+$0x9F40];
	_ =	sdelay $0x4  }
0x9a: {  	[tilespmem:v3+s11+$0x0] =	vst.idx.msk $0xffff, v2  }
0x9b: {  	v3 =	vor.u32 $0xE, v1;
	v2 =	vld [tilespmem:s16+$0xAB80];
	_ =	sdelay $0x4  }
0x9c: {  	[tilespmem:v3+s11+$0x0] =	vst.idx.msk $0xffff, v2  }
0x9d: {  	v1 =	vor.u32 $0xF, v1;
	v2 =	vld [tilespmem:s16+$0xB7C0];
	_ =	sdelay $0x2  }
0x9e: {  	s14 =	simm.s32 $0x10  }
0x9f: {  	s15 =	simm.s32 $0x40;
	v3 =	vmov s14;
	s16 =	simm.s32 $0x80  }
.LBB2_4:
0xa0: {  	p0 =	sne.s32 s16, $0x30C0;
	v3 =	vshll.u32 v3, $0x4;
	s17 =	sshra.s32 s15, $0x2;
	[tilespmem:v1+s11+$0x0] =	vst.idx.msk $0xffff, v2;
	s15 =	smov.u32 s16  }
0xa1: {  	v2 =	vld [tilespmem:s17+$0x0];
	v1 =	vor.u32 v0, v3;
	_ =	sdelay $0x4  }
0xa2: {  	[tilespmem:v1+s11+$0x0] =	vst.idx.msk $0xffff, v2  }
0xa3: {  	v3 =	vor.u32 $0x1, v1;
	v2 =	vld [tilespmem:s17+$0xC40];
	_ =	sdelay $0x4  }
0xa4: {  	[tilespmem:v3+s11+$0x0] =	vst.idx.msk $0xffff, v2  }
0xa5: {  	v3 =	vor.u32 $0x2, v1;
	v2 =	vld [tilespmem:s17+$0x1880];
	_ =	sdelay $0x4  }
0xa6: {  	[tilespmem:v3+s11+$0x0] =	vst.idx.msk $0xffff, v2  }
0xa7: {  	v3 =	vor.u32 $0x3, v1;
	v2 =	vld [tilespmem:s17+$0x24C0];
	_ =	sdelay $0x4  }
0xa8: {  	[tilespmem:v3+s11+$0x0] =	vst.idx.msk $0xffff, v2  }
0xa9: {  	v3 =	vor.u32 $0x4, v1;
	v2 =	vld [tilespmem:s17+$0x3100];
	_ =	sdelay $0x4  }
0xaa: {  	[tilespmem:v3+s11+$0x0] =	vst.idx.msk $0xffff, v2  }
0xab: {  	v3 =	vor.u32 $0x5, v1;
	v2 =	vld [tilespmem:s17+$0x3D40];
	_ =	sdelay $0x4  }
0xac: {  	[tilespmem:v3+s11+$0x0] =	vst.idx.msk $0xffff, v2  }
0xad: {  	v3 =	vor.u32 $0x6, v1;
	v2 =	vld [tilespmem:s17+$0x4980];
	_ =	sdelay $0x4  }
0xae: {  	[tilespmem:v3+s11+$0x0] =	vst.idx.msk $0xffff, v2  }
0xaf: {  	v3 =	vor.u32 $0x7, v1;
	v2 =	vld [tilespmem:s17+$0x55C0];
	_ =	sdelay $0x4  }
0xb0: {  	[tilespmem:v3+s11+$0x0] =	vst.idx.msk $0xffff, v2  }
0xb1: {  	v3 =	vor.u32 $0x8, v1;
	v2 =	vld [tilespmem:s17+$0x6200];
	_ =	sdelay $0x4  }
0xb2: {  	[tilespmem:v3+s11+$0x0] =	vst.idx.msk $0xffff, v2  }
0xb3: {  	v3 =	vor.u32 $0x9, v1;
	v2 =	vld [tilespmem:s17+$0x6E40];
	_ =	sdelay $0x4  }
0xb4: {  	[tilespmem:v3+s11+$0x0] =	vst.idx.msk $0xffff, v2  }
0xb5: {  	v3 =	vor.u32 $0xA, v1;
	v2 =	vld [tilespmem:s17+$0x7A80];
	_ =	sdelay $0x4  }
0xb6: {  	[tilespmem:v3+s11+$0x0] =	vst.idx.msk $0xffff, v2  }
0xb7: {  	v3 =	vor.u32 $0xB, v1;
	v2 =	vld [tilespmem:s17+$0x86C0];
	_ =	sdelay $0x4  }
0xb8: {  	[tilespmem:v3+s11+$0x0] =	vst.idx.msk $0xffff, v2  }
0xb9: {  	v3 =	vor.u32 $0xC, v1;
	v2 =	vld [tilespmem:s17+$0x9300];
	_ =	sdelay $0x4  }
0xba: {  	[tilespmem:v3+s11+$0x0] =	vst.idx.msk $0xffff, v2  }
0xbb: {  	v3 =	vor.u32 $0xD, v1;
	v2 =	vld [tilespmem:s17+$0x9F40];
	_ =	sdelay $0x4  }
0xbc: {  	[tilespmem:v3+s11+$0x0] =	vst.idx.msk $0xffff, v2  }
0xbd: {  	v3 =	vor.u32 $0xE, v1;
	v2 =	vld [tilespmem:s17+$0xAB80];
	_ =	sdelay $0x4  }
0xbe: {  	[tilespmem:v3+s11+$0x0] =	vst.idx.msk $0xffff, v2  }
.Ltmp1:
0xbf: {  	v1 =	vor.u32 $0xF, v1;
	v2 =	vld [tilespmem:s17+$0xB7C0];
	(pc) =	sbr.rel @p0 .LBB2_4-.Ltmp1, $3  }
0xc0: {  	_ =	sdelay $0x1  }
0xc1: {  	s14 =	sadd.s32 $0x10, s14  }
0xc2: {  	s16 =	sadd.s32 $0x40, s16;
	v3 =	vmov s14  }
0xc3: {  	_ =	sdelay $0x3  }
0xc4: {  	v3 =	vshll.u32 v3, $0x4;
	s14 =	sshra.s32 s15, $0x2;
	[tilespmem:v1+s11+$0x0] =	vst.idx.msk $0xffff, v2  }
0xc5: {  	v1 =	vld [tilespmem:s14+$0x0];
	v2 =	vor.u32 v0, v3;
	_ =	sdelay $0x4  }
0xc6: {  	[tilespmem:v2+s11+$0x0] =	vst.idx.msk $0xffff, v1  }
0xc7: {  	v3 =	vor.u32 $0x1, v2;
	v1 =	vld [tilespmem:s14+$0xC40];
	_ =	sdelay $0x4  }
0xc8: {  	[tilespmem:v3+s11+$0x0] =	vst.idx.msk $0xffff, v1  }
0xc9: {  	v3 =	vor.u32 $0x2, v2;
	v1 =	vld [tilespmem:s14+$0x1880];
	_ =	sdelay $0x4  }
0xca: {  	[tilespmem:v3+s11+$0x0] =	vst.idx.msk $0xffff, v1  }
0xcb: {  	v3 =	vor.u32 $0x3, v2;
	v1 =	vld [tilespmem:s14+$0x24C0];
	_ =	sdelay $0x4  }
0xcc: {  	[tilespmem:v3+s11+$0x0] =	vst.idx.msk $0xffff, v1  }
0xcd: {  	v3 =	vor.u32 $0x4, v2;
	v1 =	vld [tilespmem:s14+$0x3100];
	_ =	sdelay $0x4  }
0xce: {  	[tilespmem:v3+s11+$0x0] =	vst.idx.msk $0xffff, v1  }
0xcf: {  	v3 =	vor.u32 $0x5, v2;
	v1 =	vld [tilespmem:s14+$0x3D40];
	_ =	sdelay $0x4  }
0xd0: {  	[tilespmem:v3+s11+$0x0] =	vst.idx.msk $0xffff, v1  }
0xd1: {  	v3 =	vor.u32 $0x6, v2;
	v1 =	vld [tilespmem:s14+$0x4980];
	_ =	sdelay $0x4  }
0xd2: {  	[tilespmem:v3+s11+$0x0] =	vst.idx.msk $0xffff, v1  }
0xd3: {  	v3 =	vor.u32 $0x7, v2;
	v1 =	vld [tilespmem:s14+$0x55C0];
	_ =	sdelay $0x4  }
0xd4: {  	[tilespmem:v3+s11+$0x0] =	vst.idx.msk $0xffff, v1  }
0xd5: {  	v3 =	vor.u32 $0x8, v2;
	v1 =	vld [tilespmem:s14+$0x6200];
	_ =	sdelay $0x4  }
0xd6: {  	[tilespmem:v3+s11+$0x0] =	vst.idx.msk $0xffff, v1  }
0xd7: {  	v3 =	vor.u32 $0x9, v2;
	v1 =	vld [tilespmem:s14+$0x6E40];
	_ =	sdelay $0x4  }
0xd8: {  	[tilespmem:v3+s11+$0x0] =	vst.idx.msk $0xffff, v1  }
0xd9: {  	v3 =	vor.u32 $0xA, v2;
	v1 =	vld [tilespmem:s14+$0x7A80];
	_ =	sdelay $0x4  }
0xda: {  	[tilespmem:v3+s11+$0x0] =	vst.idx.msk $0xffff, v1  }
0xdb: {  	v3 =	vor.u32 $0xB, v2;
	v1 =	vld [tilespmem:s14+$0x86C0];
	_ =	sdelay $0x4  }
0xdc: {  	[tilespmem:v3+s11+$0x0] =	vst.idx.msk $0xffff, v1  }
0xdd: {  	v3 =	vor.u32 $0xC, v2;
	v1 =	vld [tilespmem:s14+$0x9300];
	_ =	sdelay $0x4  }
0xde: {  	[tilespmem:v3+s11+$0x0] =	vst.idx.msk $0xffff, v1  }
0xdf: {  	v3 =	vor.u32 $0xD, v2;
	v1 =	vld [tilespmem:s14+$0x9F40];
	_ =	sdelay $0x4  }
0xe0: {  	[tilespmem:v3+s11+$0x0] =	vst.idx.msk $0xffff, v1  }
0xe1: {  	v3 =	vor.u32 $0xE, v2;
	v1 =	vld [tilespmem:s14+$0xAB80];
	_ =	sdelay $0x4  }
0xe2: {  	[tilespmem:v3+s11+$0x0] =	vst.idx.msk $0xffff, v1  }
0xe3: {  	v2 =	vor.u32 $0xF, v2;
	v1 =	vld [tilespmem:s14+$0xB7C0];
	_ =	sdelay $0x2  }
0xe4: {  	s13 =	sadd.s32 $0x1, s13  }
0xe5: {  	p0 =	sne.s32 s13, s7  }
.Ltmp2:
0xe6: {  	[tilespmem:v2+s11+$0x0] =	vst.idx.msk $0xffff, v1;
	(pc) =	sbr.rel @p0 .LBB2_1-.Ltmp2, $4  }
0xe7: {  	[hbm4b:s6+s2] =	stream.linear.scatter [tilespmem:s11], [sflag:$0x1], $0xC400, $0x38;
	[tilespmem:$0x18800] =	vst v63  }
0xe8: {  	_ =	swait.ge [sflag:s10], $0xC400  }
0xe9: {  	[sflag:s10] =	ssyncset.done $0x0  }
0xea: {  	[sflag:s10] =	ssyncadd.s32 $0xFFFF3C00  }
0xeb: {  	_ =	sfence.sel $0x180000  }
0xec: {  	[bflag:$0x0] =	sbarrier.arrive $0xFFFF  }
0xed: {  	p0 =	sne.s32 s0, $0x0;
	_ =	strace $0x90000047  }
0xee: {  	s0 =	sadd.s32 @!p0 $0x100000, s1;
	[bflag:$0x2] =	sbarrier.arrive $0xFFFF  }
0xef: {  	[sflag:s0] =	ssyncadd.tile.s32 @!p0 $0x1;
	_ =	shalt  }
.Lfunc_end2:
_tile_overlayer_lowered:
.L_overlay_start_2:
0xf0: {  	(tag) =	ssettag $0x2  }
0xf1: {  	s0 =	rddreg [dreg:$0x0];
	s2 =	stileid.u32  }
0xf2: {  	s1 =	rddreg [dreg:$0x1];
	p0 =	sne.s32 s2, $0x0  }
0xf3: {  	s3 =	rddreg [dreg:$0x2];
	[bflag:$0x3] =	sbarrier.arrive $0xFFFF;
	s2 =	simm.s32 @!p0 $0x1C01  }
0xf4: {  	[timem:s3], [sflag:s2] =	dma.local @!p0 [hbm:s0], s1  }
0xf5: {  	s0 =	simm.s32 @!p0 $0x1  }
0xf6: {  	_ =	swait.ge @!p0 [sflag:s0], s1  }
0xf7: {  	s1 =	ssub.s32 @!p0 $0x0, s1;
	[sflag:s0] =	ssyncset.done @!p0 $0x0  }
0xf8: {  	[sflag:s0] =	ssyncadd.s32 @!p0 s1  }
0xf9: {  	[bflag:$0x3] =	sbarrier.arrive $0xFFFF  }
0xfa: {  	_ =	shalt  }

// kernel: kernel.8.cloned.1.call-start
scs
__scs_entry_jumppad:
0x0: {  	(pc) =	sbr.rel $0x88, $3  }
0x1: {  	(tag) =	ssettag $0x0;
	lr =	simm.s32 $0x1  }
0x2: {  	[smem:$0x3F95] =	sst lr;
	_ =	strace $0xD0000000  }
0x3: {  	_ = 	snop  }
0x4: {  	_ = 	snop  }
0x5: {  	_ = 	snop  }
0x6: {  	_ = 	snop  }
0x7: {  	_ = 	snop  }
__scs_overlays_trampoline_lowered:
0x8: {  	[smem:$0x3FA4] =	sst s0  }
0x9: {  	[smem:$0x3FA5] =	sst s1  }
0xa: {  	[smem:$0x3FA6] =	sst s2  }
0xb: {  	[smem:$0x3FA7] =	sst s3  }
0xc: {  	[smem:$0x3FA8] =	sst s4  }
0xd: {  	[smem:$0x3FA9] =	sst s5  }
0xe: {  	[smem:$0x3FAA] =	sst s6  }
0xf: {  	[smem:$0x3FAB] =	sst s7  }
0x10: {  	[smem:$0x3FAC] =	sst s8  }
0x11: {  	[smem:$0x3FAD] =	sst s9;
	s0 =	simm.s32 @!p0 $0x0  }
0x12: {  	s1 =	sld [smem:$0x3F93];
	s0 =	simm.s32 @p0 $0x1  }
0x13: {  	[smem:$0x3FAE] =	sst s0;
	s0 =	simm.s32 @!p1 $0x0  }
0x14: {  	s2 =	sld [smem:$0x3F92];
	s0 =	simm.s32 @p1 $0x1  }
0x15: {  	[smem:$0x3FAF] =	sst s0;
	s0 =	simm.s32 @!p2 $0x0  }
0x16: {  	s3 =	sld [smem:$0x3FDB];
	s0 =	simm.s32 @p2 $0x1  }
0x17: {  	s4 =	simm.s32 $0x1BF5;
	[smem:$0x3FB1] =	sst s0  }
0x18: {  	s0 =	sld [smem:$0x3F94];
	_ =	swait.ge [sflag:s4], $0x0  }
0x19: {  	s7 =	sld [smem:$0x3F95]  }
0x1a: {  	s8 =	sadd.s32 $0xFFFFE003, lr  }
0x1b: {  	s9 =	sadd.s32 $0xFFFFFEF7, lr;
	s5 =	simm.s32 $0xFFFFFFFF;
	p2 =	slt.u32 s8, $0xFFFFF086  }
0x1c: {  	p1 =	slt.u32 s9, $0xF7A;
	s5 =	simm.s32 @!p2 $0x0  }
0x1d: {  	s5 =	simm.s32 @p1 $0x1;
	p0 =	seq.s32 s7, s2  }
0x1e: {  	s7 =	smul.u32 @!p0 $0xF7A, s2;
	p2 =	seq.s32 @!p0 s5, $0x0  }
0x1f: {  	s9 =	smul.u32 $0xF7A, s1;
	s8 =	simm.s32 @!p0 $0x1BF5;
	p2 =	por !p2, p0  }
0x20: {  	[sflag:s8] =	ssyncset.s32 @!p0 $0xFFFFF086;
	s6 =	sadd.s32 @!p0 s3, s7;
	s7 =	simm.s32 @!p0 $0x108  }
0x21: {  	s3 =	sadd.s32 s3, s9;
	s6 =	sadd.s32 @!p0 $0x88, s6;
	s7 =	simm.s32 @p2 $0x1082  }
0x22: {  	[simem:s7], [sflag:s8] =	dma.local @!p0 [hbm:s6], $0xF7A  }
0x23: {  	s9 =	sor.u32 $0xD0000000, s2;
	s6 =	simm.s32 $0x108;
	_ =	swait.ge @!p0 [sflag:s8], $0x0  }
0x24: {  	s3 =	sadd.s32 $0x88, s3;
	s6 =	simm.s32 @!p1 $0x1082;
	[sflag:s4] =	ssyncset.s32 $0xFFFFF086  }
0x25: {  	[simem:s6], [sflag:s4] =	dma.local [hbm:s3], $0xF7A  }
0x26: {  	[smem:$0x3F95] =	sst s1;
	(tag) =	ssettag s2;
	_ =	strace s9  }
0x27: {  	s1 =	sld [smem:$0x3FA5]  }
0x28: {  	s2 =	sld [smem:$0x3FA6]  }
0x29: {  	s4 =	sld [smem:$0x3FA8]  }
0x2a: {  	p0 =	seq.s32 s5, $0x0;
	s5 =	sld [smem:$0x3FA9]  }
0x2b: {  	s6 =	sld [smem:$0x3FAA]  }
0x2c: {  	s7 =	sld [smem:$0x3FAB]  }
0x2d: {  	s3 =	simm.s32 $0x108;
	s8 =	sld [smem:$0x3FAC]  }
0x2e: {  	s3 =	simm.s32 @!p0 $0x1082;
	s9 =	sld [smem:$0x3FAD]  }
0x2f: {  	lr =	sadd.s32 s0, s3;
	s0 =	sld [smem:$0x3FA4]  }
0x30: {  	s3 =	sld [smem:$0x3FA7]  }
0x31: {  	[smem:$0x3FB0] =	sst s10  }
0x32: {  	s10 =	sld [smem:$0x3FAE];
	_ =	sdelay $0x3  }
0x33: {  	p0 =	seq.s32 s10, $0x1;
	s10 =	sld [smem:$0x3FB0];
	_ =	sdelay $0x3  }
0x34: {  	[smem:$0x3FB0] =	sst s10  }
0x35: {  	s10 =	sld [smem:$0x3FAF];
	_ =	sdelay $0x3  }
0x36: {  	p1 =	seq.s32 s10, $0x1;
	s10 =	sld [smem:$0x3FB0];
	_ =	sdelay $0x3  }
0x37: {  	[smem:$0x3FB0] =	sst s10  }
0x38: {  	s10 =	sld [smem:$0x3FB1]  }
0x39: {  	_ = 	snop;
	(pc) =	sbr.ind lr, $3  }
0x3a: {  	_ = 	snop  }
0x3b: {  	_ = 	snop  }
0x3c: {  	p2 =	seq.s32 s10, $0x1;
	s10 =	sld [smem:$0x3FB0]  }
0x3d: {  	_ =	shalt  }
0x3e: {  	_ =	shalt  }
0x3f: {  	_ =	shalt  }
0x40: {  	_ =	shalt  }
0x41: {  	_ =	shalt  }
0x42: {  	_ =	shalt  }
0x43: {  	_ =	shalt  }
0x44: {  	_ =	shalt  }
0x45: {  	_ =	shalt  }
0x46: {  	_ =	shalt  }
0x47: {  	_ =	shalt  }
0x48: {  	_ =	shalt  }
0x49: {  	_ =	shalt  }
0x4a: {  	_ =	shalt  }
0x4b: {  	_ =	shalt  }
0x4c: {  	_ =	shalt  }
0x4d: {  	_ =	shalt  }
0x4e: {  	_ =	shalt  }
0x4f: {  	_ =	shalt  }
0x50: {  	_ =	shalt  }
0x51: {  	_ =	shalt  }
0x52: {  	_ =	shalt  }
0x53: {  	_ =	shalt  }
0x54: {  	_ =	shalt  }
0x55: {  	_ =	shalt  }
0x56: {  	_ =	shalt  }
0x57: {  	_ =	shalt  }
0x58: {  	_ =	shalt  }
0x59: {  	_ =	shalt  }
0x5a: {  	_ =	shalt  }
0x5b: {  	_ =	shalt  }
0x5c: {  	_ =	shalt  }
0x5d: {  	_ =	shalt  }
0x5e: {  	_ =	shalt  }
0x5f: {  	_ =	shalt  }
0x60: {  	_ =	shalt  }
0x61: {  	_ =	shalt  }
0x62: {  	_ =	shalt  }
0x63: {  	_ =	shalt  }
0x64: {  	_ =	shalt  }
0x65: {  	_ =	shalt  }
0x66: {  	_ =	shalt  }
0x67: {  	_ =	shalt  }
0x68: {  	_ =	shalt  }
0x69: {  	_ =	shalt  }
0x6a: {  	_ =	shalt  }
0x6b: {  	_ =	shalt  }
0x6c: {  	_ =	shalt  }
0x6d: {  	_ =	shalt  }
0x6e: {  	_ =	shalt  }
0x6f: {  	_ =	shalt  }
0x70: {  	_ =	shalt  }
0x71: {  	_ =	shalt  }
0x72: {  	_ =	shalt  }
0x73: {  	_ =	shalt  }
0x74: {  	_ =	shalt  }
0x75: {  	_ =	shalt  }
0x76: {  	_ =	shalt  }
0x77: {  	_ =	shalt  }
0x78: {  	_ =	shalt  }
0x79: {  	_ =	shalt  }
0x7a: {  	_ =	shalt  }
0x7b: {  	_ =	shalt  }
0x7c: {  	_ =	shalt  }
0x7d: {  	_ =	shalt  }
0x7e: {  	_ =	shalt  }
0x7f: {  	_ =	shalt  }
0x80: {  	_ =	shalt  }
0x81: {  	_ =	shalt  }
0x82: {  	_ =	shalt  }
0x83: {  	_ =	shalt  }
0x84: {  	_ =	shalt  }
0x85: {  	_ =	shalt  }
0x86: {  	_ =	shalt  }
0x87: {  	_ =	shalt  }
.Lfunc_end0:
.L_simem_size_0:
called_computation.1_lowered:
.L_overlay_start_0:
0x88: {  	s2 =	sld [smem:$0x3FD9]  }
0x89: {  	s3 =	sld [smem:$0x3FFE];
	_ =	sdelay $0x1  }
0x8a: {  	s1 =	srdreg.scid  }
0x8b: {  	s0 =	sand.u32 $0x1, s1  }
0x8c: {  	s16 =	sshll.u32 s0, $0xA;
	s2 =	sadd.s32 s3, s2  }
0x8d: {  	s2 =	sadd.s32 s2, s16  }
0x8e: {  	[smem:$0x3FBC] =	sst s2  }
0x8f: {  	_ = 	snop  }
0x90: {  	(tm) =	ssettm $0x1  }
0x91: {  	s17 =	sld [smem:$0x3FFB];
	_ =	sdelay $0x3  }
0x92: {  	_ =	strace s17  }
0x93: {  	s2 =	sld [smem:$0x3FFC];
	_ =	sdelay $0x3  }
0x94: {  	_ =	strace s2  }
0x95: {  	s2 =	sld [smem:$0x3FFD];
	_ =	sdelay $0x3  }
0x96: {  	_ =	strace s2  }
0x97: {  	_ =	strace $0x8FFFFFFF  }
0x98: {  	s18 =	sld [smem:$0x3FDB];
	_ =	sdelay $0x1  }
0x99: {  	s19 =	simm.s32 $_scs_section_size  }
0x9a: {  	s4 =	simm.s32 $_size__tile_overlayer_lowered;
	s5 =	simm.s32 $_tile_overlayer_lowered  }
0x9b: {  	s22 =	simm.s32 $0x1BFF;
	s21 =	sshll.u32 s5, $0x1;
	s2 =	sadd.s32 s19, s18  }
0x9c: {  	s6 =	simm.s32 $0x0;
	s20 =	sshll.u32 s4, $0x1;
	s4 =	sadd.s32 s21, s2  }
0x9d: {  	[timem:s6], [sflag:s22] =	dma.local [hbm:s4], s20  }
0x9e: {  	_ =	swait.ge [sflag:s22], s20  }
0x9f: {  	s3 =	ssub.s32 $0x0, s20;
	[sflag:s22] =	ssyncset.done $0x0  }
0xa0: {  	[sflag:s22] =	ssyncadd.s32 s3;
	_ =	sdelay $0x1  }
0xa1: {  	s23 =	simm.s32 $0x1B8B  }
0xa2: {  	_ =	swait.ge [sflag:s23], $0x1  }
0xa3: {  	[sflag:s23] =	ssyncset.done $0x0  }
0xa4: {  	s25 =	simm.s32 $0x1B8E;
	s24 =	sld [smem:$0x3FFE];
	[sflag:s23] =	ssyncadd.s32 $0xFFFFFFFF  }
0xa5: {  	s26 =	simm.s32 $execute0_lowered;
	[smem:$0x3FD2] =	sst s25  }
0xa6: {  	s4 =	sshll.u32 s26, $0x1;
	_ =	strace $0x80000049;
	[dreg:$0x1] =	wrdreg $0xFFFFFFFF  }
0xa7: {  	s28 =	simm.s32 $_size_execute0_lowered;
	s2 =	sadd.s32 s2, s4;
	[dreg:$0x0] =	wrdreg $0x0  }
0xa8: {  	s4 =	sshll.u32 s28, $0x1;
	[dreg:$0x2] =	wrdreg s2  }
0xa9: {  	[dreg:$0x3] =	wrdreg s4  }
0xaa: {  	[dreg:$0x4] =	wrdreg $0xC0  }
0xab: {  	_ =	task [dreg:s6], $0x5FFFF  }
0xac: {  	[dreg:$0x1] =	wrdreg $0xFFFFFFFF  }
0xad: {  	[dreg:$0x0] =	wrdreg $0x60  }
0xae: {  	[dreg:$0x2] =	wrdreg s24  }
0xaf: {  	[dreg:$0x3] =	wrdreg $0x9  }
0xb0: {  	_ =	task.clear_ibuf [dreg:s6], $0x4FFFF;
	_ =	strace $0x90000049  }
0xb1: {  	s29 =	simm.s32 $0x9;
	_ =	strace $0x8000004B  }
0xb2: {  	_ =	swait.ge [sflag:s29], $0x1  }
0xb3: {  	[sflag:s29] =	ssyncadd.s32 $0xFFFFFFFF  }
0xb4: {  	_ =	strace $0x9000004B  }
0xb5: {  	_ =	sfence  }
0xb6: {  	s30 =	sld [smem:$0x0];
	_ =	sdelay $0x2  }
0xb7: {  	s31 =	sshll.u32 s1, $0xD;
	s1 =	sshrl.u32 s1, $0x2  }
0xb8: {  	s3 =	sand.u32 $0x4000, s31;
	s1 =	sadd.s32 s1, s30  }
0xb9: {  	s0 =	sor.u32 s3, s0;
	s1 =	sshll.u32 s1, $0x11  }
0xba: {  	s0 =	sor.u32 s1, s0  }
0xbb: {  	s0 =	sadd.s32 $0x8F2B, s0  }
0xbc: {  	[sflag:s0] =	ssyncadd.remote.s32 $0x1  }
0xbd: {  	_ =	sfence.sel $0xFFFF  }
0xbe: {  	[dreg:$0x0] =	wrdreg $0xFFFFFFFF;
	(pc) =	sbr.abs _section_cstart, $3  }
0xbf: {  	[dreg:$0x1] =	wrdreg $0xFFFFFFFF  }
0xc0: {  	_ =	task.clear_ibuf [dreg:s6], $0x2FFFF;
	_ =	strace $0x9FFFFFFF  }
0xc1: {  	(tm) =	ssettm $0x7FFFFFFF  }
tec
execute0_lowered:
.L_overlay_start_1:
0x0: {  	(tag) =	ssettag $0x1  }
0x1: {  	s1 =	srdreg.scid;
	s0 =	stileid.u32  }
0x2: {  	s11 =	sand.u32 $0x1, s1;
	s30 =	sshll.u32 s0, $0x1  }
0x3: {  	s6 =	sor.u32 s11, s30  }
0x4: {  	s10 =	rddreg [dreg:$0x0];
	s3 =	smul.u32 $0x1A0, s6  }
0x5: {  	s2 =	simm.s32 $0x0;
	s1 =	rddreg [dreg:$0x1]  }
0x6: {  	[smem:$0x7FF] =	sst s2;
	s9 =	sadd.s32 s3, s10  }
0x7: {  	_ =	strace $0x8000004A;
	s3 =	simm.s32 $0x2;
	s4 =	sadd.s32 $0xC9A00, s9  }
0x8: {  	[tilespmem:s2], [sflag:$0x2] =	stream.linear.gather [hbm4b:s4+s2], $0xD00, $0x38;
	[tilespmem:$0xDD00] =	vst v63  }
0x9: {  	_ =	swait.ge [sflag:s3], $0xD00  }
0xa: {  	s7 =	simm.s32 $0x1;
	s5 =	sadd.s32 $0x64800, s10;
	[sflag:s3] =	ssyncset.done $0x0  }
0xb: {  	s8 =	smul.u32 $0x1A00, s6;
	s6 =	simm.s32 $0xD00;
	[sflag:s3] =	ssyncadd.s32 $0xFFFFF300  }
0xc: {  	[tilespmem:s6], [sflag:$0x1] =	stream.indirect.gather [hbm4b:s5+s6], $0x10, s2, s6, $0xb8;
	[tilespmem:$0xDD00] =	vst v63  }
0xd: {  	_ =	swait.ge [sflag:s7], $0xD000  }
0xe: {  	s12 =	sadd.s32 s8, s10;
	[sflag:s7] =	ssyncset.done $0x0  }
0xf: {  	s8 =	sadd.s32 $0x2A00, s12;
	[sflag:s7] =	ssyncadd.s32 $0xFFFF3000  }
0x10: {  	[hbm4b:s8+s2] =	stream.linear.scatter [tilespmem:s6], [sflag:$0x2], $0xD000, $0x38;
	[tilespmem:$0xDD00] =	vst v63  }
0x11: {  	_ =	swait.ge [sflag:s3], $0xD000  }
0x12: {  	[sflag:s3] =	ssyncset.done $0x0  }
0x13: {  	s11 =	ssub.s32 $0x2, s11;
	s9 =	sadd.s32 $0xC6600, s9;
	[sflag:s3] =	ssyncadd.s32 $0xFFFF3000  }
0x14: {  	[tilespmem:s2], [sflag:$0x2] =	stream.linear.gather [hbm4b:s9+s2], $0xD00, $0x38;
	[tilespmem:$0xDD00] =	vst v63  }
0x15: {  	s13 =	sshrl.u32 s11, $0x1;
	_ =	swait.ge [sflag:s3], $0xD00  }
0x16: {  	s13 =	ssub.s32 s11, s13;
	[sflag:s3] =	ssyncset.done $0x0  }
0x17: {  	s10 =	sadd.s32 $0x95600, s10;
	s31 =	smax.u32 s13, $0x1;
	[sflag:s3] =	ssyncadd.s32 $0xFFFFF300  }
0x18: {  	[tilespmem:s6], [sflag:$0x1] =	stream.indirect.gather [hbm4b:s10+s6], $0x10, s2, s6, $0xb8;
	[tilespmem:$0xDD00] =	vst v63  }
0x19: {  	p0 =	sne.s32 s31, $0x1;
	_ =	swait.ge [sflag:s7], $0xD000  }
.Ltmp0:
0x1a: {  	[sflag:s7] =	ssyncset.done $0x0;
	(pc) =	sbr.rel @!p0 .LBB2_2-.Ltmp0, $4  }
0x1b: {  	s11 =	sadd.s32 $0xCCE00, s12;
	[sflag:s7] =	ssyncadd.s32 $0xFFFF3000  }
0x1c: {  	[hbm4b:s11+s2] =	stream.linear.scatter [tilespmem:s6], [sflag:$0x2], $0xD000, $0x38;
	[tilespmem:$0xDD00] =	vst v63  }
0x1d: {  	_ =	swait.ge [sflag:s3], $0xD000  }
0x1e: {  	s12 =	sadd.s32 $0xFFFFFFFF, s31;
	[sflag:s3] =	ssyncset.done $0x0  }
.LBB2_1:
0x1f: {  	p0 =	sne.s32 s12, $0x1;
	s12 =	sadd.s32 $0xFFFFFFFF, s12;
	[sflag:s3] =	ssyncadd.s32 $0xFFFF3000  }
0x20: {  	[tilespmem:s2], [sflag:$0x2] =	stream.linear.gather [hbm4b:s4+s2], $0xD00, $0x38;
	[tilespmem:$0xDD00] =	vst v63  }
0x21: {  	_ =	swait.ge [sflag:s3], $0xD00  }
0x22: {  	[sflag:s3] =	ssyncset.done $0x0  }
0x23: {  	[sflag:s3] =	ssyncadd.s32 $0xFFFFF300  }
0x24: {  	[tilespmem:s6], [sflag:$0x1] =	stream.indirect.gather [hbm4b:s5+s6], $0x10, s2, s6, $0xb8;
	[tilespmem:$0xDD00] =	vst v63  }
0x25: {  	_ =	swait.ge [sflag:s7], $0xD000  }
0x26: {  	[sflag:s7] =	ssyncset.done $0x0  }
0x27: {  	[sflag:s7] =	ssyncadd.s32 $0xFFFF3000  }
0x28: {  	[hbm4b:s8+s2] =	stream.linear.scatter [tilespmem:s6], [sflag:$0x2], $0xD000, $0x38;
	[tilespmem:$0xDD00] =	vst v63  }
0x29: {  	_ =	swait.ge [sflag:s3], $0xD000  }
0x2a: {  	[sflag:s3] =	ssyncset.done $0x0  }
0x2b: {  	[sflag:s3] =	ssyncadd.s32 $0xFFFF3000  }
0x2c: {  	[tilespmem:s2], [sflag:$0x2] =	stream.linear.gather [hbm4b:s9+s2], $0xD00, $0x38;
	[tilespmem:$0xDD00] =	vst v63  }
0x2d: {  	_ =	swait.ge [sflag:s3], $0xD00  }
0x2e: {  	[sflag:s3] =	ssyncset.done $0x0  }
0x2f: {  	[sflag:s3] =	ssyncadd.s32 $0xFFFFF300  }
0x30: {  	[tilespmem:s6], [sflag:$0x1] =	stream.indirect.gather [hbm4b:s10+s6], $0x10, s2, s6, $0xb8;
	[tilespmem:$0xDD00] =	vst v63  }
0x31: {  	_ =	swait.ge [sflag:s7], $0xD000  }
.Ltmp1:
0x32: {  	[sflag:s7] =	ssyncset.done $0x0;
	(pc) =	sbr.rel @p0 .LBB2_1-.Ltmp1, $4  }
0x33: {  	[sflag:s7] =	ssyncadd.s32 $0xFFFF3000  }
0x34: {  	[hbm4b:s11+s2] =	stream.linear.scatter [tilespmem:s6], [sflag:$0x2], $0xD000, $0x38;
	[tilespmem:$0xDD00] =	vst v63  }
0x35: {  	_ =	swait.ge [sflag:s3], $0xD000  }
0x36: {  	[sflag:s3] =	ssyncset.done $0x0  }
.LBB2_2:
0x37: {  	[sflag:s3] =	ssyncadd.s32 $0xFFFF3000  }
0x38: {  	_ =	sfence.sel $0x180000  }
0x39: {  	[bflag:$0x0] =	sbarrier.arrive $0xFFFF  }
0x3a: {  	p0 =	sne.s32 s0, $0x0;
	_ =	strace $0x9000004A  }
0x3b: {  	s0 =	sadd.s32 @!p0 $0x100000, s1;
	[bflag:$0x2] =	sbarrier.arrive $0xFFFF  }
0x3c: {  	[sflag:s0] =	ssyncadd.tile.s32 @!p0 $0x1;
	_ =	shalt  }
.Lfunc_end2:
_tile_overlayer_lowered:
.L_overlay_start_2:
0x3d: {  	(tag) =	ssettag $0x2  }
0x3e: {  	s0 =	rddreg [dreg:$0x0];
	s2 =	stileid.u32  }
0x3f: {  	s1 =	rddreg [dreg:$0x1];
	p0 =	sne.s32 s2, $0x0  }
0x40: {  	s3 =	rddreg [dreg:$0x2];
	[bflag:$0x3] =	sbarrier.arrive $0xFFFF;
	s2 =	simm.s32 @!p0 $0x1C02  }
0x41: {  	[timem:s3], [sflag:s2] =	dma.local @!p0 [hbm:s0], s1  }
0x42: {  	s0 =	simm.s32 @!p0 $0x2  }
0x43: {  	_ =	swait.ge @!p0 [sflag:s0], s1  }
0x44: {  	s1 =	ssub.s32 @!p0 $0x0, s1;
	[sflag:s0] =	ssyncset.done @!p0 $0x0  }
0x45: {  	[sflag:s0] =	ssyncadd.s32 @!p0 s1  }
0x46: {  	[bflag:$0x3] =	sbarrier.arrive $0xFFFF  }
0x47: {  	_ =	shalt  }

</sc_bundles>
